<compile_context>
chip_gen: v7x
topology: tpu7x:2x2x1
jax: 0.10.2.dev20260603
libtpu: 0.0.44.dev20260713+nightly
codegen_flags: <defaults>
</compile_context>

<pallas_src>
import functools

import jax
import jax.numpy as jnp
from jax import lax
from jax.experimental import pallas as pl
from jax.experimental.pallas import tpu as pltpu
from jax.experimental.pallas import tpu_sc as plsc

N = 10000
E = 320000
D = 128
DA = D + 16

NC = 2
NS = 16
NW = NC * NS
EPT = E // NW
CH = 80
STEPS = EPT // CH
NPAD = 10240
RPT = NPAD // NS
NTR = RPT // CH
PKB = 14
PKM = (1 << PKB) - 1
L = 16

_SC_MESH = plsc.VectorSubcoreMesh(core_axis_name="c", subcore_axis_name="s",
                                  num_cores=NC, num_subcores=NS)


def _make_sc_agg(W):

    @functools.partial(
        pl.kernel,
        out_type=jax.ShapeDtypeStruct((NC, NPAD, W), jnp.float32),
        mesh=_SC_MESH,
        scratch_types=[
            pltpu.VMEM((STEPS, CH), jnp.int32),
            pltpu.VMEM((CH,), jnp.int32),
            pltpu.VMEM((CH,), jnp.int32),
            pltpu.VMEM((CH, W), jnp.float32),
            pltpu.VMEM_SHARED((NPAD, W), jnp.float32),
            pltpu.SemaphoreType.DMA,
        ],
        compiler_params=pltpu.CompilerParams(use_tc_tiling_on_sc=(W == D)),
    )
    def _agg(h_hbm, pk_hbm, zrow_hbm, agg_out, pkv, srcc, dstc, rows, acc,
             sem):
        cid = lax.axis_index("c")
        sid = lax.axis_index("s")
        wid = cid * NS + sid
        row0 = sid * RPT

        pltpu.sync_copy(pk_hbm.at[wid], pkv)
        pltpu.sync_copy(zrow_hbm, rows)

        def zero_body(kk, carry):
            pltpu.sync_copy(rows, acc.at[pl.ds(row0 + kk * CH, CH)])
            return carry

        lax.fori_loop(0, NTR, zero_body, 0)
        plsc.subcore_barrier()

        def step(j, carry):
            for k in range(CH // L):
                v = pkv[j, pl.ds(k * L, L)]
                srcc[pl.ds(k * L, L)] = jax.lax.shift_right_logical(v, PKB)
                dstc[pl.ds(k * L, L)] = jax.lax.bitwise_and(v, PKM)
            pltpu.async_copy(h_hbm.at[srcc], rows, sem).wait()
            pltpu.sync_copy(rows, acc.at[dstc], add=True)
            return carry

        lax.fori_loop(0, STEPS, step, 0)
        plsc.subcore_barrier()

        def read_body(kk, carry):
            pltpu.sync_copy(acc.at[pl.ds(row0 + kk * CH, CH)], rows)
            pltpu.sync_copy(rows,
                            agg_out.at[cid].at[pl.ds(row0 + kk * CH, CH)])
            return carry

        lax.fori_loop(0, NTR, read_body, 0)

    return _agg


_sc_agg = _make_sc_agg(D)
_sc_agg_aug = _make_sc_agg(DA)



R = 2000


def _tc_pre_body(x_ref, wpT_ref, out_ref):
    out_ref[:, :D] = jnp.dot(x_ref[...], wpT_ref[...],
                             preferred_element_type=jnp.float32)
    out_ref[:, D:] = jnp.ones((R, DA - D), jnp.float32)


def _tc_pre(x, wpT):
    return pl.pallas_call(
        _tc_pre_body,
        grid=(N // R,),
        in_specs=[pl.BlockSpec((R, D), lambda i: (i, 0)),
                  pl.BlockSpec((D, D), lambda i: (0, 0))],
        out_specs=pl.BlockSpec((R, DA), lambda i: (i, 0)),
        out_shape=jax.ShapeDtypeStruct((N, DA), jnp.float32),
    )(x, wpT)


def _tc_layer_body(aggp_ref, degp_ref, h_ref, res_ref, wlT_ref, wrT_ref,
                   bl_ref, out_ref, *, mode):
    s = aggp_ref[0] + aggp_ref[1]
    agg = s[:, :D]
    deg = degp_ref[0][:, D:D + 1] + degp_ref[1][:, D:D + 1]
    agg = agg / jnp.maximum(deg, 1.0)
    h = h_ref[...][:, :D]
    out = (jnp.dot(agg, wlT_ref[...], preferred_element_type=jnp.float32)
           + bl_ref[...]
           + jnp.dot(h, wrT_ref[...], preferred_element_type=jnp.float32))
    if mode == "relu_res":
        out = jnp.maximum(out, 0.0) + res_ref[...]
    else:
        norm = jnp.sqrt(jnp.sum(out * out, axis=1, keepdims=True))
        out = out / jnp.maximum(norm, 1e-12)
    out_ref[...] = out


def _tc_layer(aggp, degp, h, res, wlT, wrT, bl, mode):
    wa = aggp.shape[-1]
    wh = h.shape[-1]
    return pl.pallas_call(
        functools.partial(_tc_layer_body, mode=mode),
        grid=(N // R,),
        in_specs=[pl.BlockSpec((NC, R, wa), lambda i: (0, i, 0)),
                  pl.BlockSpec((NC, R, DA), lambda i: (0, i, 0)),
                  pl.BlockSpec((R, wh), lambda i: (i, 0)),
                  pl.BlockSpec((R, D), lambda i: (i, 0)),
                  pl.BlockSpec((D, D), lambda i: (0, 0)),
                  pl.BlockSpec((D, D), lambda i: (0, 0)),
                  pl.BlockSpec((1, D), lambda i: (0, 0))],
        out_specs=pl.BlockSpec((R, D), lambda i: (i, 0)),
        out_shape=jax.ShapeDtypeStruct((N, D), jnp.float32),
    )(aggp, degp, h, res, wlT, wrT, bl)


def kernel(x, edge_index, Wp, Wl1, bl1, Wr1, Wl2, bl2, Wr2, Wl3, bl3, Wr3):
    packed = ((edge_index[0] << PKB) | edge_index[1]).reshape(NW, STEPS, CH)
    zrow = jnp.zeros((CH, D), jnp.float32)
    zrow_a = jnp.zeros((CH, DA), jnp.float32)

    h0 = _tc_pre(x, Wp.T)
    aggp1 = _sc_agg_aug(h0, packed, zrow_a)
    h1 = _tc_layer(aggp1, aggp1, h0, x, Wl1.T, Wr1.T, bl1.reshape(1, D),
                   "relu_res")
    aggp2 = _sc_agg(h1, packed, zrow)
    h2 = _tc_layer(aggp2, aggp1, h1, h1, Wl2.T, Wr2.T, bl2.reshape(1, D),
                   "relu_res")
    aggp3 = _sc_agg(h2, packed, zrow)
    return _tc_layer(aggp3, aggp1, h2, h2, Wl3.T, Wr3.T, bl3.reshape(1, D),
                     "norm")

# --- scband reference (transcript-rebuilt; emitter-appended) ---
"""Pipeline reference for scband-embedding-alignment-gnn-81793357185798 (READ-ONLY COPY).

The authoritative reference and input builder live on the scoring server;
editing this copy changes nothing except your own understanding.
"""

import jax, jax.numpy as jnp
import numpy as np

N = 10000
E = 320000
D = 128


def _xavier(key, shape):
    limit = float(np.sqrt(6.0 / (shape[0] + shape[1])))
    return jax.random.uniform(key, shape, minval=-limit, maxval=limit, dtype=jnp.float32)


def _sage(x, src, dst, Wl, bl, Wr, n):
    # PyG SAGEConv with mean aggregation:
    # out = lin_l(mean_{j in N(i)} x_j) + lin_r(x_i)
    msgs = x[src]
    agg = jax.ops.segment_sum(msgs, dst, num_segments=n)
    deg = jax.ops.segment_sum(jnp.ones((src.shape[0],), x.dtype), dst, num_segments=n)
    agg = agg / jnp.maximum(deg, 1.0)[:, None]
    return agg @ Wl.T + bl + x @ Wr.T


def setup_inputs(seed: int = 0) -> dict:
    key = jax.random.key(seed)
    ks = jax.random.split(key, 12)
    x = jax.random.normal(ks[0], (N, D), dtype=jnp.float32)
    edge_index = jax.random.randint(ks[1], (2, E), 0, N, dtype=jnp.int32)
    Wp = _xavier(ks[2], (D, D))
    Wl1 = _xavier(ks[3], (D, D)); bl1 = jnp.zeros((D,), jnp.float32); Wr1 = _xavier(ks[4], (D, D))
    Wl2 = _xavier(ks[5], (D, D)); bl2 = jnp.zeros((D,), jnp.float32); Wr2 = _xavier(ks[6], (D, D))
    Wl3 = _xavier(ks[7], (D, D)); bl3 = jnp.zeros((D,), jnp.float32); Wr3 = _xavier(ks[8], (D, D))
    return {"x": x, "edge_index": edge_index, "Wp": Wp,
            "Wl1": Wl1, "bl1": bl1, "Wr1": Wr1,
            "Wl2": Wl2, "bl2": bl2, "Wr2": Wr2,
            "Wl3": Wl3, "bl3": bl3, "Wr3": Wr3}


def reference(x, edge_index, Wp, Wl1, bl1, Wr1, Wl2, bl2, Wr2, Wl3, bl3, Wr3):
    # Dropout layers are identity in eval mode.
    src = edge_index[0]
    dst = edge_index[1]
    identity = x
    h = x @ Wp.T
    h = _sage(h, src, dst, Wl1, bl1, Wr1, N)
    h = jax.nn.relu(h)
    h = h + identity
    identity = h
    h = _sage(h, src, dst, Wl2, bl2, Wr2, N)
    h = jax.nn.relu(h)
    h = h + identity
    h = _sage(h, src, dst, Wl3, bl3, Wr3, N)
    norm = jnp.linalg.norm(h, axis=1, keepdims=True)
    return h / jnp.maximum(norm, 1e-12)

if __name__ == "__main__":
    import jax
    _d = setup_inputs()
    print(jax.jit(kernel)(*tuple(_d.values())))

</pallas_src>

<mosaic_0001>
#map = affine_map<(d0, d1) -> (0, 0)>
#map1 = affine_map<(d0, d1) -> (0, 0, 0)>
module attributes {stable_mosaic.version = 14 : i64} {
  func.func @_agg(%arg0: i32, %arg1: i32, %arg2: memref<10000x128xf32, #tpu.memory_space<hbm>>, %arg3: memref<32x125x80xi32, #tpu.memory_space<hbm>>, %arg4: memref<80x128xf32, #tpu.memory_space<hbm>>, %arg5: memref<2x10240x128xf32, #tpu.memory_space<hbm>>, %arg6: memref<125x80xi32, #tpu.memory_space<vmem>>, %arg7: memref<80xi32, #tpu.memory_space<vmem>>, %arg8: memref<80xi32, #tpu.memory_space<vmem>>, %arg9: memref<80x128xf32, #tpu.memory_space<vmem>>, %arg10: memref<10240x128xf32, #tpu.memory_space<vmem_shared>>, %arg11: memref<!tpu.dma_semaphore, #tpu.memory_space<semaphore_mem>>) attributes {dimension_semantics = [#tpu.dimension_semantics<core_parallel>, #tpu.dimension_semantics<subcore_parallel>], iteration_bounds = array<i64: 2, 16>, scalar_prefetch = 0 : i64, scratch_operands = 6 : i64, tpu.core_type = #tpu.core_type<sc_vector_subcore>, window_params = [{transform_indices = #map}, {transform_indices = #map1}, {transform_indices = #map}, {transform_indices = #map1}]} {
    %mul3A = arith.constant 16 : i32
    %mul3A_0 = arith.muli %arg0, %mul3A : i32
    %add3A = arith.addi %mul3A_0, %arg1 : i32
    %mul3A_1 = arith.constant 640 : i32
    %mul3A_2 = arith.muli %arg1, %mul3A_1 : i32
    "tpu.region"() ({
      %run_scoped3A = tpu.sem_alloc : memref<!tpu.dma_semaphore, #tpu.memory_space<semaphore_mem>>
      %dma_start3A = arith.constant 0 : i32
      %dma_start3A_21 = arith.constant 0 : i32
      %dma_start3A_22 = tpu.memref_slice %arg3[%add3A, %dma_start3A, %dma_start3A_21] : memref<32x125x80xi32, #tpu.memory_space<hbm>> -> memref<1x125x80xi32, #tpu.memory_space<hbm>>
      %dma_start3A_23 = tpu.memref_squeeze %dma_start3A_22 : memref<1x125x80xi32, #tpu.memory_space<hbm>> -> memref<125x80xi32, #tpu.memory_space<hbm>>
      %dma_start3A_24 = arith.constant 0 : i32
      %dma_start3A_25 = arith.constant 0 : i32
      %dma_start3A_26 = tpu.memref_slice %arg3[%add3A, %dma_start3A_24, %dma_start3A_25] : memref<32x125x80xi32, #tpu.memory_space<hbm>> -> memref<1x125x80xi32, #tpu.memory_space<hbm>>
      %dma_start3A_27 = tpu.memref_squeeze %dma_start3A_26 : memref<1x125x80xi32, #tpu.memory_space<hbm>> -> memref<125x80xi32, #tpu.memory_space<hbm>>
      tpu.enqueue_dma source(%dma_start3A_27 : memref<125x80xi32, #tpu.memory_space<hbm>>) target(%arg6 : memref<125x80xi32, #tpu.memory_space<vmem>>) target_semaphore(%run_scoped3A : memref<!tpu.dma_semaphore, #tpu.memory_space<semaphore_mem>>)
      %dma_wait3A = arith.constant 0 : i32
      %dma_wait3A_28 = arith.constant 0 : i32
      %dma_wait3A_29 = tpu.memref_slice %arg3[%add3A, %dma_wait3A, %dma_wait3A_28] : memref<32x125x80xi32, #tpu.memory_space<hbm>> -> memref<1x125x80xi32, #tpu.memory_space<hbm>>
      %dma_wait3A_30 = tpu.memref_squeeze %dma_wait3A_29 : memref<1x125x80xi32, #tpu.memory_space<hbm>> -> memref<125x80xi32, #tpu.memory_space<hbm>>
      %dma_wait3A_31 = arith.constant 0 : i32
      %dma_wait3A_32 = arith.constant 0 : i32
      %dma_wait3A_33 = tpu.memref_slice %arg3[%add3A, %dma_wait3A_31, %dma_wait3A_32] : memref<32x125x80xi32, #tpu.memory_space<hbm>> -> memref<1x125x80xi32, #tpu.memory_space<hbm>>
      %dma_wait3A_34 = tpu.memref_squeeze %dma_wait3A_33 : memref<1x125x80xi32, #tpu.memory_space<hbm>> -> memref<125x80xi32, #tpu.memory_space<hbm>>
      tpu.wait_dma2 semaphore(%run_scoped3A : memref<!tpu.dma_semaphore, #tpu.memory_space<semaphore_mem>>) src(%dma_wait3A_34 : memref<125x80xi32, #tpu.memory_space<hbm>>) dst(%arg6 : memref<125x80xi32, #tpu.memory_space<vmem>>)
      tpu.yield
    }) : () -> ()
    "tpu.region"() ({
      %run_scoped3A = tpu.sem_alloc : memref<!tpu.dma_semaphore, #tpu.memory_space<semaphore_mem>>
      tpu.enqueue_dma source(%arg4 : memref<80x128xf32, #tpu.memory_space<hbm>>) target(%arg9 : memref<80x128xf32, #tpu.memory_space<vmem>>) target_semaphore(%run_scoped3A : memref<!tpu.dma_semaphore, #tpu.memory_space<semaphore_mem>>)
      tpu.wait_dma2 semaphore(%run_scoped3A : memref<!tpu.dma_semaphore, #tpu.memory_space<semaphore_mem>>) src(%arg4 : memref<80x128xf32, #tpu.memory_space<hbm>>) dst(%arg9 : memref<80x128xf32, #tpu.memory_space<vmem>>)
      tpu.yield
    }) : () -> ()
    %scan3A = arith.constant 0 : i32
    %scan3A_3 = arith.constant 0 : i32
    %scan3A_4 = arith.constant 8 : i32
    %scan3A_5 = arith.addi %scan3A_3, %scan3A_4 : i32
    %scan3A_6 = arith.constant 1 : i32
    scf.for %scan3A_21 = %scan3A_3 to %scan3A_5 step %scan3A_6  : i32 {
      %mul3A_22 = arith.constant 80 : i32
      %mul3A_23 = arith.muli %scan3A_21, %mul3A_22 : i32
      %add3A_24 = arith.addi %mul3A_2, %mul3A_23 : i32
      "tpu.region"() ({
        %run_scoped3A = tpu.sem_alloc : memref<!tpu.dma_semaphore, #tpu.memory_space<semaphore_mem>>
        %dma_start3A = arith.constant 0 : i32
        %dma_start3A_25 = tpu.memref_slice %arg10[%add3A_24, %dma_start3A] : memref<10240x128xf32, #tpu.memory_space<vmem_shared>> -> memref<80x128xf32, #tpu.memory_space<vmem_shared>>
        %dma_start3A_26 = arith.constant 0 : i32
        %dma_start3A_27 = tpu.memref_slice %arg10[%add3A_24, %dma_start3A_26] : memref<10240x128xf32, #tpu.memory_space<vmem_shared>> -> memref<80x128xf32, #tpu.memory_space<vmem_shared>>
        tpu.enqueue_dma source(%arg9 : memref<80x128xf32, #tpu.memory_space<vmem>>) target(%dma_start3A_27 : memref<80x128xf32, #tpu.memory_space<vmem_shared>>) target_semaphore(%run_scoped3A : memref<!tpu.dma_semaphore, #tpu.memory_space<semaphore_mem>>)
        %dma_wait3A = arith.constant 0 : i32
        %dma_wait3A_28 = tpu.memref_slice %arg10[%add3A_24, %dma_wait3A] : memref<10240x128xf32, #tpu.memory_space<vmem_shared>> -> memref<80x128xf32, #tpu.memory_space<vmem_shared>>
        %dma_wait3A_29 = arith.constant 0 : i32
        %dma_wait3A_30 = tpu.memref_slice %arg10[%add3A_24, %dma_wait3A_29] : memref<10240x128xf32, #tpu.memory_space<vmem_shared>> -> memref<80x128xf32, #tpu.memory_space<vmem_shared>>
        tpu.wait_dma2 semaphore(%run_scoped3A : memref<!tpu.dma_semaphore, #tpu.memory_space<semaphore_mem>>) src(%arg9 : memref<80x128xf32, #tpu.memory_space<vmem>>) dst(%dma_wait3A_30 : memref<80x128xf32, #tpu.memory_space<vmem_shared>>)
        tpu.yield
      }) : () -> ()
    }
    %scan3A_7 = arith.constant 8 : i32
    %barrier3A = arith.constant 0 : index
    tpu.barrier barrier_id(%barrier3A)
    %scan3A_8 = arith.constant 0 : i32
    %scan3A_9 = arith.constant 0 : i32
    %scan3A_10 = arith.constant 125 : i32
    %scan3A_11 = arith.addi %scan3A_9, %scan3A_10 : i32
    %scan3A_12 = arith.constant 1 : i32
    scf.for %scan3A_21 = %scan3A_9 to %scan3A_11 step %scan3A_12  : i32 {
      %get3A = arith.index_cast %scan3A_21 : i32 to index
      %get3A_22 = arith.constant 0 : index
      %get3A_23 = tpu.vector_load %arg6[%get3A, %get3A_22] {strides = array<i32>} : memref<125x80xi32, #tpu.memory_space<vmem>>, vector<1x16xi32>,
      %get3A_24 = vector.shape_cast %get3A_23 : vector<1x16xi32> to vector<16xi32>
      %shift_right_logical3A = arith.constant 14 : i32
      %shift_right_logical3A_25 = vector.broadcast %shift_right_logical3A : i32 to vector<16xi32>
      %shift_right_logical3A_26 = arith.shrui %get3A_24, %shift_right_logical3A_25 : vector<16xi32>
      %swap3A = arith.constant 0 : index
      %swap3A_27 = tpu.vector_load %arg7[%swap3A] {strides = array<i32>} : memref<80xi32, #tpu.memory_space<vmem>>, vector<16xi32>,
      %swap3A_28 = vector.shape_cast %swap3A_27 : vector<16xi32> to vector<16xi32>
      %swap3A_29 = vector.shape_cast %shift_right_logical3A_26 : vector<16xi32> to vector<16xi32>
      tpu.vector_store %arg7[%swap3A], %swap3A_29 {strides = array<i32>} : memref<80xi32, #tpu.memory_space<vmem>>, vector<16xi32>,
      %and3A = arith.constant 16383 : i32
      %and3A_30 = vector.broadcast %and3A : i32 to vector<16xi32>
      %and3A_31 = arith.andi %get3A_24, %and3A_30 : vector<16xi32>
      %swap3A_32 = arith.constant 0 : index
      %swap3A_33 = tpu.vector_load %arg8[%swap3A_32] {strides = array<i32>} : memref<80xi32, #tpu.memory_space<vmem>>, vector<16xi32>,
      %swap3A_34 = vector.shape_cast %swap3A_33 : vector<16xi32> to vector<16xi32>
      %swap3A_35 = vector.shape_cast %and3A_31 : vector<16xi32> to vector<16xi32>
      tpu.vector_store %arg8[%swap3A_32], %swap3A_35 {strides = array<i32>} : memref<80xi32, #tpu.memory_space<vmem>>, vector<16xi32>,
      %get3A_36 = arith.index_cast %scan3A_21 : i32 to index
      %get3A_37 = arith.constant 16 : index
      %get3A_38 = tpu.vector_load %arg6[%get3A_36, %get3A_37] {strides = array<i32>} : memref<125x80xi32, #tpu.memory_space<vmem>>, vector<1x16xi32>,
      %get3A_39 = vector.shape_cast %get3A_38 : vector<1x16xi32> to vector<16xi32>
      %shift_right_logical3A_40 = arith.constant 14 : i32
      %shift_right_logical3A_41 = vector.broadcast %shift_right_logical3A_40 : i32 to vector<16xi32>
      %shift_right_logical3A_42 = arith.shrui %get3A_39, %shift_right_logical3A_41 : vector<16xi32>
      %swap3A_43 = arith.constant 16 : index
      %swap3A_44 = tpu.vector_load %arg7[%swap3A_43] {strides = array<i32>} : memref<80xi32, #tpu.memory_space<vmem>>, vector<16xi32>,
      %swap3A_45 = vector.shape_cast %swap3A_44 : vector<16xi32> to vector<16xi32>
      %swap3A_46 = vector.shape_cast %shift_right_logical3A_42 : vector<16xi32> to vector<16xi32>
      tpu.vector_store %arg7[%swap3A_43], %swap3A_46 {strides = array<i32>} : memref<80xi32, #tpu.memory_space<vmem>>, vector<16xi32>,
      %and3A_47 = arith.constant 16383 : i32
      %and3A_48 = vector.broadcast %and3A_47 : i32 to vector<16xi32>
      %and3A_49 = arith.andi %get3A_39, %and3A_48 : vector<16xi32>
      %swap3A_50 = arith.constant 16 : index
      %swap3A_51 = tpu.vector_load %arg8[%swap3A_50] {strides = array<i32>} : memref<80xi32, #tpu.memory_space<vmem>>, vector<16xi32>,
      %swap3A_52 = vector.shape_cast %swap3A_51 : vector<16xi32> to vector<16xi32>
      %swap3A_53 = vector.shape_cast %and3A_49 : vector<16xi32> to vector<16xi32>
      tpu.vector_store %arg8[%swap3A_50], %swap3A_53 {strides = array<i32>} : memref<80xi32, #tpu.memory_space<vmem>>, vector<16xi32>,
      %get3A_54 = arith.index_cast %scan3A_21 : i32 to index
      %get3A_55 = arith.constant 32 : index
      %get3A_56 = tpu.vector_load %arg6[%get3A_54, %get3A_55] {strides = array<i32>} : memref<125x80xi32, #tpu.memory_space<vmem>>, vector<1x16xi32>,
      %get3A_57 = vector.shape_cast %get3A_56 : vector<1x16xi32> to vector<16xi32>
      %shift_right_logical3A_58 = arith.constant 14 : i32
      %shift_right_logical3A_59 = vector.broadcast %shift_right_logical3A_58 : i32 to vector<16xi32>
      %shift_right_logical3A_60 = arith.shrui %get3A_57, %shift_right_logical3A_59 : vector<16xi32>
      %swap3A_61 = arith.constant 32 : index
      %swap3A_62 = tpu.vector_load %arg7[%swap3A_61] {strides = array<i32>} : memref<80xi32, #tpu.memory_space<vmem>>, vector<16xi32>,
      %swap3A_63 = vector.shape_cast %swap3A_62 : vector<16xi32> to vector<16xi32>
      %swap3A_64 = vector.shape_cast %shift_right_logical3A_60 : vector<16xi32> to vector<16xi32>
      tpu.vector_store %arg7[%swap3A_61], %swap3A_64 {strides = array<i32>} : memref<80xi32, #tpu.memory_space<vmem>>, vector<16xi32>,
      %and3A_65 = arith.constant 16383 : i32
      %and3A_66 = vector.broadcast %and3A_65 : i32 to vector<16xi32>
      %and3A_67 = arith.andi %get3A_57, %and3A_66 : vector<16xi32>
      %swap3A_68 = arith.constant 32 : index
      %swap3A_69 = tpu.vector_load %arg8[%swap3A_68] {strides = array<i32>} : memref<80xi32, #tpu.memory_space<vmem>>, vector<16xi32>,
      %swap3A_70 = vector.shape_cast %swap3A_69 : vector<16xi32> to vector<16xi32>
      %swap3A_71 = vector.shape_cast %and3A_67 : vector<16xi32> to vector<16xi32>
      tpu.vector_store %arg8[%swap3A_68], %swap3A_71 {strides = array<i32>} : memref<80xi32, #tpu.memory_space<vmem>>, vector<16xi32>,
      %get3A_72 = arith.index_cast %scan3A_21 : i32 to index
      %get3A_73 = arith.constant 48 : index
      %get3A_74 = tpu.vector_load %arg6[%get3A_72, %get3A_73] {strides = array<i32>} : memref<125x80xi32, #tpu.memory_space<vmem>>, vector<1x16xi32>,
      %get3A_75 = vector.shape_cast %get3A_74 : vector<1x16xi32> to vector<16xi32>
      %shift_right_logical3A_76 = arith.constant 14 : i32
      %shift_right_logical3A_77 = vector.broadcast %shift_right_logical3A_76 : i32 to vector<16xi32>
      %shift_right_logical3A_78 = arith.shrui %get3A_75, %shift_right_logical3A_77 : vector<16xi32>
      %swap3A_79 = arith.constant 48 : index
      %swap3A_80 = tpu.vector_load %arg7[%swap3A_79] {strides = array<i32>} : memref<80xi32, #tpu.memory_space<vmem>>, vector<16xi32>,
      %swap3A_81 = vector.shape_cast %swap3A_80 : vector<16xi32> to vector<16xi32>
      %swap3A_82 = vector.shape_cast %shift_right_logical3A_78 : vector<16xi32> to vector<16xi32>
      tpu.vector_store %arg7[%swap3A_79], %swap3A_82 {strides = array<i32>} : memref<80xi32, #tpu.memory_space<vmem>>, vector<16xi32>,
      %and3A_83 = arith.constant 16383 : i32
      %and3A_84 = vector.broadcast %and3A_83 : i32 to vector<16xi32>
      %and3A_85 = arith.andi %get3A_75, %and3A_84 : vector<16xi32>
      %swap3A_86 = arith.constant 48 : index
      %swap3A_87 = tpu.vector_load %arg8[%swap3A_86] {strides = array<i32>} : memref<80xi32, #tpu.memory_space<vmem>>, vector<16xi32>,
      %swap3A_88 = vector.shape_cast %swap3A_87 : vector<16xi32> to vector<16xi32>
      %swap3A_89 = vector.shape_cast %and3A_85 : vector<16xi32> to vector<16xi32>
      tpu.vector_store %arg8[%swap3A_86], %swap3A_89 {strides = array<i32>} : memref<80xi32, #tpu.memory_space<vmem>>, vector<16xi32>,
      %get3A_90 = arith.index_cast %scan3A_21 : i32 to index
      %get3A_91 = arith.constant 64 : index
      %get3A_92 = tpu.vector_load %arg6[%get3A_90, %get3A_91] {strides = array<i32>} : memref<125x80xi32, #tpu.memory_space<vmem>>, vector<1x16xi32>,
      %get3A_93 = vector.shape_cast %get3A_92 : vector<1x16xi32> to vector<16xi32>
      %shift_right_logical3A_94 = arith.constant 14 : i32
      %shift_right_logical3A_95 = vector.broadcast %shift_right_logical3A_94 : i32 to vector<16xi32>
      %shift_right_logical3A_96 = arith.shrui %get3A_93, %shift_right_logical3A_95 : vector<16xi32>
      %swap3A_97 = arith.constant 64 : index
      %swap3A_98 = tpu.vector_load %arg7[%swap3A_97] {strides = array<i32>} : memref<80xi32, #tpu.memory_space<vmem>>, vector<16xi32>,
      %swap3A_99 = vector.shape_cast %swap3A_98 : vector<16xi32> to vector<16xi32>
      %swap3A_100 = vector.shape_cast %shift_right_logical3A_96 : vector<16xi32> to vector<16xi32>
      tpu.vector_store %arg7[%swap3A_97], %swap3A_100 {strides = array<i32>} : memref<80xi32, #tpu.memory_space<vmem>>, vector<16xi32>,
      %and3A_101 = arith.constant 16383 : i32
      %and3A_102 = vector.broadcast %and3A_101 : i32 to vector<16xi32>
      %and3A_103 = arith.andi %get3A_93, %and3A_102 : vector<16xi32>
      %swap3A_104 = arith.constant 64 : index
      %swap3A_105 = tpu.vector_load %arg8[%swap3A_104] {strides = array<i32>} : memref<80xi32, #tpu.memory_space<vmem>>, vector<16xi32>,
      %swap3A_106 = vector.shape_cast %swap3A_105 : vector<16xi32> to vector<16xi32>
      %swap3A_107 = vector.shape_cast %and3A_103 : vector<16xi32> to vector<16xi32>
      tpu.vector_store %arg8[%swap3A_104], %swap3A_107 {strides = array<i32>} : memref<80xi32, #tpu.memory_space<vmem>>, vector<16xi32>,
      %dma_start3A = arith.constant 0 : i32
      %dma_start3A_108 = arith.constant 0 : i32
      %dma_start3A_109 = tpu.memref_slice %arg2[%dma_start3A, %dma_start3A_108] : memref<10000x128xf32, #tpu.memory_space<hbm>> -> memref<10000x128xf32, #tpu.memory_space<hbm>>
      tpu.enqueue_indirect_dma source(%dma_start3A_109 : memref<10000x128xf32, #tpu.memory_space<hbm>>) target(%arg9 : memref<80x128xf32, #tpu.memory_space<vmem>>) offsets(%arg7 : memref<80xi32, #tpu.memory_space<vmem>>) semaphore(%arg11 : memref<!tpu.dma_semaphore, #tpu.memory_space<semaphore_mem>>)
      %dma_wait3A = arith.constant 0 : i32
      %dma_wait3A_110 = arith.constant 0 : i32
      %dma_wait3A_111 = tpu.memref_slice %arg2[%dma_wait3A, %dma_wait3A_110] : memref<10000x128xf32, #tpu.memory_space<hbm>> -> memref<10000x128xf32, #tpu.memory_space<hbm>>
      tpu.wait_indirect_dma semaphore(%arg11 : memref<!tpu.dma_semaphore, #tpu.memory_space<semaphore_mem>>) src(%dma_wait3A_111 : memref<10000x128xf32, #tpu.memory_space<hbm>>) dst(%arg9 : memref<80x128xf32, #tpu.memory_space<vmem>>)
      "tpu.region"() ({
        %run_scoped3A = tpu.sem_alloc : memref<!tpu.dma_semaphore, #tpu.memory_space<semaphore_mem>>
        %dma_start3A_112 = arith.constant 0 : i32
        %dma_start3A_113 = arith.constant 0 : i32
        %dma_start3A_114 = tpu.memref_slice %arg10[%dma_start3A_112, %dma_start3A_113] : memref<10240x128xf32, #tpu.memory_space<vmem_shared>> -> memref<10240x128xf32, #tpu.memory_space<vmem_shared>>
        tpu.enqueue_indirect_dma source(%arg9 : memref<80x128xf32, #tpu.memory_space<vmem>>) target(%dma_start3A_114 : memref<10240x128xf32, #tpu.memory_space<vmem_shared>>) offsets(%arg8 : memref<80xi32, #tpu.memory_space<vmem>>) semaphore(%run_scoped3A : memref<!tpu.dma_semaphore, #tpu.memory_space<semaphore_mem>>) {add = true}
        %dma_wait3A_115 = arith.constant 0 : i32
        %dma_wait3A_116 = arith.constant 0 : i32
        %dma_wait3A_117 = tpu.memref_slice %arg10[%dma_wait3A_115, %dma_wait3A_116] : memref<10240x128xf32, #tpu.memory_space<vmem_shared>> -> memref<10240x128xf32, #tpu.memory_space<vmem_shared>>
        tpu.wait_indirect_dma semaphore(%run_scoped3A : memref<!tpu.dma_semaphore, #tpu.memory_space<semaphore_mem>>) src(%arg9 : memref<80x128xf32, #tpu.memory_space<vmem>>) dst(%dma_wait3A_117 : memref<10240x128xf32, #tpu.memory_space<vmem_shared>>)
        tpu.yield
      }) : () -> ()
    }
    %scan3A_13 = arith.constant 125 : i32
    %barrier3A_14 = arith.constant 0 : index
    tpu.barrier barrier_id(%barrier3A_14)
    %scan3A_15 = arith.constant 0 : i32
    %scan3A_16 = arith.constant 0 : i32
    %scan3A_17 = arith.constant 8 : i32
    %scan3A_18 = arith.addi %scan3A_16, %scan3A_17 : i32
    %scan3A_19 = arith.constant 1 : i32
    scf.for %scan3A_21 = %scan3A_16 to %scan3A_18 step %scan3A_19  : i32 {
      %mul3A_22 = arith.constant 80 : i32
      %mul3A_23 = arith.muli %scan3A_21, %mul3A_22 : i32
      %add3A_24 = arith.addi %mul3A_2, %mul3A_23 : i32
      "tpu.region"() ({
        %run_scoped3A = tpu.sem_alloc : memref<!tpu.dma_semaphore, #tpu.memory_space<semaphore_mem>>
        %dma_start3A = arith.constant 0 : i32
        %dma_start3A_28 = tpu.memref_slice %arg10[%add3A_24, %dma_start3A] : memref<10240x128xf32, #tpu.memory_space<vmem_shared>> -> memref<80x128xf32, #tpu.memory_space<vmem_shared>>
        %dma_start3A_29 = arith.constant 0 : i32
        %dma_start3A_30 = tpu.memref_slice %arg10[%add3A_24, %dma_start3A_29] : memref<10240x128xf32, #tpu.memory_space<vmem_shared>> -> memref<80x128xf32, #tpu.memory_space<vmem_shared>>
        tpu.enqueue_dma source(%dma_start3A_30 : memref<80x128xf32, #tpu.memory_space<vmem_shared>>) target(%arg9 : memref<80x128xf32, #tpu.memory_space<vmem>>) target_semaphore(%run_scoped3A : memref<!tpu.dma_semaphore, #tpu.memory_space<semaphore_mem>>)
        %dma_wait3A = arith.constant 0 : i32
        %dma_wait3A_31 = tpu.memref_slice %arg10[%add3A_24, %dma_wait3A] : memref<10240x128xf32, #tpu.memory_space<vmem_shared>> -> memref<80x128xf32, #tpu.memory_space<vmem_shared>>
        %dma_wait3A_32 = arith.constant 0 : i32
        %dma_wait3A_33 = tpu.memref_slice %arg10[%add3A_24, %dma_wait3A_32] : memref<10240x128xf32, #tpu.memory_space<vmem_shared>> -> memref<80x128xf32, #tpu.memory_space<vmem_shared>>
        tpu.wait_dma2 semaphore(%run_scoped3A : memref<!tpu.dma_semaphore, #tpu.memory_space<semaphore_mem>>) src(%dma_wait3A_33 : memref<80x128xf32, #tpu.memory_space<vmem_shared>>) dst(%arg9 : memref<80x128xf32, #tpu.memory_space<vmem>>)
        tpu.yield
      }) : () -> ()
      %mul3A_25 = arith.constant 80 : i32
      %mul3A_26 = arith.muli %scan3A_21, %mul3A_25 : i32
      %add3A_27 = arith.addi %mul3A_2, %mul3A_26 : i32
      "tpu.region"() ({
        %run_scoped3A = tpu.sem_alloc : memref<!tpu.dma_semaphore, #tpu.memory_space<semaphore_mem>>
        %dma_start3A = arith.constant 0 : i32
        %dma_start3A_28 = arith.constant 0 : i32
        %dma_start3A_29 = tpu.memref_slice %arg5[%arg0, %dma_start3A, %dma_start3A_28] : memref<2x10240x128xf32, #tpu.memory_space<hbm>> -> memref<1x10240x128xf32, #tpu.memory_space<hbm>>
        %dma_start3A_30 = tpu.memref_squeeze %dma_start3A_29 : memref<1x10240x128xf32, #tpu.memory_space<hbm>> -> memref<10240x128xf32, #tpu.memory_space<hbm>>
        %dma_start3A_31 = arith.constant 0 : i32
        %dma_start3A_32 = tpu.memref_slice %dma_start3A_30[%add3A_27, %dma_start3A_31] : memref<10240x128xf32, #tpu.memory_space<hbm>> -> memref<80x128xf32, #tpu.memory_space<hbm>>
        %dma_start3A_33 = arith.constant 0 : i32
        %dma_start3A_34 = arith.constant 0 : i32
        %dma_start3A_35 = tpu.memref_slice %arg5[%arg0, %dma_start3A_33, %dma_start3A_34] : memref<2x10240x128xf32, #tpu.memory_space<hbm>> -> memref<1x10240x128xf32, #tpu.memory_space<hbm>>
        %dma_start3A_36 = tpu.memref_squeeze %dma_start3A_35 : memref<1x10240x128xf32, #tpu.memory_space<hbm>> -> memref<10240x128xf32, #tpu.memory_space<hbm>>
        %dma_start3A_37 = arith.constant 0 : i32
        %dma_start3A_38 = tpu.memref_slice %dma_start3A_36[%add3A_27, %dma_start3A_37] : memref<10240x128xf32, #tpu.memory_space<hbm>> -> memref<80x128xf32, #tpu.memory_space<hbm>>
        tpu.enqueue_dma source(%arg9 : memref<80x128xf32, #tpu.memory_space<vmem>>) target(%dma_start3A_38 : memref<80x128xf32, #tpu.memory_space<hbm>>) target_semaphore(%run_scoped3A : memref<!tpu.dma_semaphore, #tpu.memory_space<semaphore_mem>>)
        %dma_wait3A = arith.constant 0 : i32
        %dma_wait3A_39 = arith.constant 0 : i32
        %dma_wait3A_40 = tpu.memref_slice %arg5[%arg0, %dma_wait3A, %dma_wait3A_39] : memref<2x10240x128xf32, #tpu.memory_space<hbm>> -> memref<1x10240x128xf32, #tpu.memory_space<hbm>>
        %dma_wait3A_41 = tpu.memref_squeeze %dma_wait3A_40 : memref<1x10240x128xf32, #tpu.memory_space<hbm>> -> memref<10240x128xf32, #tpu.memory_space<hbm>>
        %dma_wait3A_42 = arith.constant 0 : i32
        %dma_wait3A_43 = tpu.memref_slice %dma_wait3A_41[%add3A_27, %dma_wait3A_42] : memref<10240x128xf32, #tpu.memory_space<hbm>> -> memref<80x128xf32, #tpu.memory_space<hbm>>
        %dma_wait3A_44 = arith.constant 0 : i32
        %dma_wait3A_45 = arith.constant 0 : i32
        %dma_wait3A_46 = tpu.memref_slice %arg5[%arg0, %dma_wait3A_44, %dma_wait3A_45] : memref<2x10240x128xf32, #tpu.memory_space<hbm>> -> memref<1x10240x128xf32, #tpu.memory_space<hbm>>
        %dma_wait3A_47 = tpu.memref_squeeze %dma_wait3A_46 : memref<1x10240x128xf32, #tpu.memory_space<hbm>> -> memref<10240x128xf32, #tpu.memory_space<hbm>>
        %dma_wait3A_48 = arith.constant 0 : i32
        %dma_wait3A_49 = tpu.memref_slice %dma_wait3A_47[%add3A_27, %dma_wait3A_48] : memref<10240x128xf32, #tpu.memory_space<hbm>> -> memref<80x128xf32, #tpu.memory_space<hbm>>
        tpu.wait_dma2 semaphore(%run_scoped3A : memref<!tpu.dma_semaphore, #tpu.memory_space<semaphore_mem>>) src(%arg9 : memref<80x128xf32, #tpu.memory_space<vmem>>) dst(%dma_wait3A_49 : memref<80x128xf32, #tpu.memory_space<hbm>>)
        tpu.yield
      }) : () -> ()
    }
    %scan3A_20 = arith.constant 8 : i32
    return
  }
}

#map = affine_map<(d0, d1) -> (0, 0)>
#map1 = affine_map<(d0, d1) -> (0, 0, 0)>
module attributes {stable_mosaic.version = 14 : i64} {
  func.func @_agg(%arg0: i32, %arg1: i32, %arg2: memref<10000x144xf32, #tpu.memory_space<hbm>>, %arg3: memref<32x125x80xi32, #tpu.memory_space<hbm>>, %arg4: memref<80x144xf32, #tpu.memory_space<hbm>>, %arg5: memref<2x10240x144xf32, #tpu.memory_space<hbm>>, %arg6: memref<125x80xi32, #tpu.memory_space<vmem>>, %arg7: memref<80xi32, #tpu.memory_space<vmem>>, %arg8: memref<80xi32, #tpu.memory_space<vmem>>, %arg9: memref<80x144xf32, #tpu.memory_space<vmem>>, %arg10: memref<10240x144xf32, #tpu.memory_space<vmem_shared>>, %arg11: memref<!tpu.dma_semaphore, #tpu.memory_space<semaphore_mem>>) attributes {dimension_semantics = [#tpu.dimension_semantics<core_parallel>, #tpu.dimension_semantics<subcore_parallel>], iteration_bounds = array<i64: 2, 16>, scalar_prefetch = 0 : i64, scratch_operands = 6 : i64, tpu.core_type = #tpu.core_type<sc_vector_subcore>, window_params = [{transform_indices = #map}, {transform_indices = #map1}, {transform_indices = #map}, {transform_indices = #map1}]} {
    %mul3A = arith.constant 16 : i32
    %mul3A_0 = arith.muli %arg0, %mul3A : i32
    %add3A = arith.addi %mul3A_0, %arg1 : i32
    %mul3A_1 = arith.constant 640 : i32
    %mul3A_2 = arith.muli %arg1, %mul3A_1 : i32
    "tpu.region"() ({
      %run_scoped3A = tpu.sem_alloc : memref<!tpu.dma_semaphore, #tpu.memory_space<semaphore_mem>>
      %dma_start3A = arith.constant 0 : i32
      %dma_start3A_21 = arith.constant 0 : i32
      %dma_start3A_22 = tpu.memref_slice %arg3[%add3A, %dma_start3A, %dma_start3A_21] : memref<32x125x80xi32, #tpu.memory_space<hbm>> -> memref<1x125x80xi32, #tpu.memory_space<hbm>>
      %dma_start3A_23 = tpu.memref_squeeze %dma_start3A_22 : memref<1x125x80xi32, #tpu.memory_space<hbm>> -> memref<125x80xi32, #tpu.memory_space<hbm>>
      %dma_start3A_24 = arith.constant 0 : i32
      %dma_start3A_25 = arith.constant 0 : i32
      %dma_start3A_26 = tpu.memref_slice %arg3[%add3A, %dma_start3A_24, %dma_start3A_25] : memref<32x125x80xi32, #tpu.memory_space<hbm>> -> memref<1x125x80xi32, #tpu.memory_space<hbm>>
      %dma_start3A_27 = tpu.memref_squeeze %dma_start3A_26 : memref<1x125x80xi32, #tpu.memory_space<hbm>> -> memref<125x80xi32, #tpu.memory_space<hbm>>
      tpu.enqueue_dma source(%dma_start3A_27 : memref<125x80xi32, #tpu.memory_space<hbm>>) target(%arg6 : memref<125x80xi32, #tpu.memory_space<vmem>>) target_semaphore(%run_scoped3A : memref<!tpu.dma_semaphore, #tpu.memory_space<semaphore_mem>>)
      %dma_wait3A = arith.constant 0 : i32
      %dma_wait3A_28 = arith.constant 0 : i32
      %dma_wait3A_29 = tpu.memref_slice %arg3[%add3A, %dma_wait3A, %dma_wait3A_28] : memref<32x125x80xi32, #tpu.memory_space<hbm>> -> memref<1x125x80xi32, #tpu.memory_space<hbm>>
      %dma_wait3A_30 = tpu.memref_squeeze %dma_wait3A_29 : memref<1x125x80xi32, #tpu.memory_space<hbm>> -> memref<125x80xi32, #tpu.memory_space<hbm>>
      %dma_wait3A_31 = arith.constant 0 : i32
      %dma_wait3A_32 = arith.constant 0 : i32
      %dma_wait3A_33 = tpu.memref_slice %arg3[%add3A, %dma_wait3A_31, %dma_wait3A_32] : memref<32x125x80xi32, #tpu.memory_space<hbm>> -> memref<1x125x80xi32, #tpu.memory_space<hbm>>
      %dma_wait3A_34 = tpu.memref_squeeze %dma_wait3A_33 : memref<1x125x80xi32, #tpu.memory_space<hbm>> -> memref<125x80xi32, #tpu.memory_space<hbm>>
      tpu.wait_dma2 semaphore(%run_scoped3A : memref<!tpu.dma_semaphore, #tpu.memory_space<semaphore_mem>>) src(%dma_wait3A_34 : memref<125x80xi32, #tpu.memory_space<hbm>>) dst(%arg6 : memref<125x80xi32, #tpu.memory_space<vmem>>)
      tpu.yield
    }) : () -> ()
    "tpu.region"() ({
      %run_scoped3A = tpu.sem_alloc : memref<!tpu.dma_semaphore, #tpu.memory_space<semaphore_mem>>
      tpu.enqueue_dma source(%arg4 : memref<80x144xf32, #tpu.memory_space<hbm>>) target(%arg9 : memref<80x144xf32, #tpu.memory_space<vmem>>) target_semaphore(%run_scoped3A : memref<!tpu.dma_semaphore, #tpu.memory_space<semaphore_mem>>)
      tpu.wait_dma2 semaphore(%run_scoped3A : memref<!tpu.dma_semaphore, #tpu.memory_space<semaphore_mem>>) src(%arg4 : memref<80x144xf32, #tpu.memory_space<hbm>>) dst(%arg9 : memref<80x144xf32, #tpu.memory_space<vmem>>)
      tpu.yield
    }) : () -> ()
    %scan3A = arith.constant 0 : i32
    %scan3A_3 = arith.constant 0 : i32
    %scan3A_4 = arith.constant 8 : i32
    %scan3A_5 = arith.addi %scan3A_3, %scan3A_4 : i32
    %scan3A_6 = arith.constant 1 : i32
    scf.for %scan3A_21 = %scan3A_3 to %scan3A_5 step %scan3A_6  : i32 {
      %mul3A_22 = arith.constant 80 : i32
      %mul3A_23 = arith.muli %scan3A_21, %mul3A_22 : i32
      %add3A_24 = arith.addi %mul3A_2, %mul3A_23 : i32
      "tpu.region"() ({
        %run_scoped3A = tpu.sem_alloc : memref<!tpu.dma_semaphore, #tpu.memory_space<semaphore_mem>>
        %dma_start3A = arith.constant 0 : i32
        %dma_start3A_25 = tpu.memref_slice %arg10[%add3A_24, %dma_start3A] : memref<10240x144xf32, #tpu.memory_space<vmem_shared>> -> memref<80x144xf32, #tpu.memory_space<vmem_shared>>
        %dma_start3A_26 = arith.constant 0 : i32
        %dma_start3A_27 = tpu.memref_slice %arg10[%add3A_24, %dma_start3A_26] : memref<10240x144xf32, #tpu.memory_space<vmem_shared>> -> memref<80x144xf32, #tpu.memory_space<vmem_shared>>
        tpu.enqueue_dma source(%arg9 : memref<80x144xf32, #tpu.memory_space<vmem>>) target(%dma_start3A_27 : memref<80x144xf32, #tpu.memory_space<vmem_shared>>) target_semaphore(%run_scoped3A : memref<!tpu.dma_semaphore, #tpu.memory_space<semaphore_mem>>)
        %dma_wait3A = arith.constant 0 : i32
        %dma_wait3A_28 = tpu.memref_slice %arg10[%add3A_24, %dma_wait3A] : memref<10240x144xf32, #tpu.memory_space<vmem_shared>> -> memref<80x144xf32, #tpu.memory_space<vmem_shared>>
        %dma_wait3A_29 = arith.constant 0 : i32
        %dma_wait3A_30 = tpu.memref_slice %arg10[%add3A_24, %dma_wait3A_29] : memref<10240x144xf32, #tpu.memory_space<vmem_shared>> -> memref<80x144xf32, #tpu.memory_space<vmem_shared>>
        tpu.wait_dma2 semaphore(%run_scoped3A : memref<!tpu.dma_semaphore, #tpu.memory_space<semaphore_mem>>) src(%arg9 : memref<80x144xf32, #tpu.memory_space<vmem>>) dst(%dma_wait3A_30 : memref<80x144xf32, #tpu.memory_space<vmem_shared>>)
        tpu.yield
      }) : () -> ()
    }
    %scan3A_7 = arith.constant 8 : i32
    %barrier3A = arith.constant 0 : index
    tpu.barrier barrier_id(%barrier3A)
    %scan3A_8 = arith.constant 0 : i32
    %scan3A_9 = arith.constant 0 : i32
    %scan3A_10 = arith.constant 125 : i32
    %scan3A_11 = arith.addi %scan3A_9, %scan3A_10 : i32
    %scan3A_12 = arith.constant 1 : i32
    scf.for %scan3A_21 = %scan3A_9 to %scan3A_11 step %scan3A_12  : i32 {
      %get3A = arith.index_cast %scan3A_21 : i32 to index
      %get3A_22 = arith.constant 0 : index
      %get3A_23 = tpu.vector_load %arg6[%get3A, %get3A_22] {strides = array<i32>} : memref<125x80xi32, #tpu.memory_space<vmem>>, vector<1x16xi32>,
      %get3A_24 = vector.shape_cast %get3A_23 : vector<1x16xi32> to vector<16xi32>
      %shift_right_logical3A = arith.constant 14 : i32
      %shift_right_logical3A_25 = vector.broadcast %shift_right_logical3A : i32 to vector<16xi32>
      %shift_right_logical3A_26 = arith.shrui %get3A_24, %shift_right_logical3A_25 : vector<16xi32>
      %swap3A = arith.constant 0 : index
      %swap3A_27 = tpu.vector_load %arg7[%swap3A] {strides = array<i32>} : memref<80xi32, #tpu.memory_space<vmem>>, vector<16xi32>,
      %swap3A_28 = vector.shape_cast %swap3A_27 : vector<16xi32> to vector<16xi32>
      %swap3A_29 = vector.shape_cast %shift_right_logical3A_26 : vector<16xi32> to vector<16xi32>
      tpu.vector_store %arg7[%swap3A], %swap3A_29 {strides = array<i32>} : memref<80xi32, #tpu.memory_space<vmem>>, vector<16xi32>,
      %and3A = arith.constant 16383 : i32
      %and3A_30 = vector.broadcast %and3A : i32 to vector<16xi32>
      %and3A_31 = arith.andi %get3A_24, %and3A_30 : vector<16xi32>
      %swap3A_32 = arith.constant 0 : index
      %swap3A_33 = tpu.vector_load %arg8[%swap3A_32] {strides = array<i32>} : memref<80xi32, #tpu.memory_space<vmem>>, vector<16xi32>,
      %swap3A_34 = vector.shape_cast %swap3A_33 : vector<16xi32> to vector<16xi32>
      %swap3A_35 = vector.shape_cast %and3A_31 : vector<16xi32> to vector<16xi32>
      tpu.vector_store %arg8[%swap3A_32], %swap3A_35 {strides = array<i32>} : memref<80xi32, #tpu.memory_space<vmem>>, vector<16xi32>,
      %get3A_36 = arith.index_cast %scan3A_21 : i32 to index
      %get3A_37 = arith.constant 16 : index
      %get3A_38 = tpu.vector_load %arg6[%get3A_36, %get3A_37] {strides = array<i32>} : memref<125x80xi32, #tpu.memory_space<vmem>>, vector<1x16xi32>,
      %get3A_39 = vector.shape_cast %get3A_38 : vector<1x16xi32> to vector<16xi32>
      %shift_right_logical3A_40 = arith.constant 14 : i32
      %shift_right_logical3A_41 = vector.broadcast %shift_right_logical3A_40 : i32 to vector<16xi32>
      %shift_right_logical3A_42 = arith.shrui %get3A_39, %shift_right_logical3A_41 : vector<16xi32>
      %swap3A_43 = arith.constant 16 : index
      %swap3A_44 = tpu.vector_load %arg7[%swap3A_43] {strides = array<i32>} : memref<80xi32, #tpu.memory_space<vmem>>, vector<16xi32>,
      %swap3A_45 = vector.shape_cast %swap3A_44 : vector<16xi32> to vector<16xi32>
      %swap3A_46 = vector.shape_cast %shift_right_logical3A_42 : vector<16xi32> to vector<16xi32>
      tpu.vector_store %arg7[%swap3A_43], %swap3A_46 {strides = array<i32>} : memref<80xi32, #tpu.memory_space<vmem>>, vector<16xi32>,
      %and3A_47 = arith.constant 16383 : i32
      %and3A_48 = vector.broadcast %and3A_47 : i32 to vector<16xi32>
      %and3A_49 = arith.andi %get3A_39, %and3A_48 : vector<16xi32>
      %swap3A_50 = arith.constant 16 : index
      %swap3A_51 = tpu.vector_load %arg8[%swap3A_50] {strides = array<i32>} : memref<80xi32, #tpu.memory_space<vmem>>, vector<16xi32>,
      %swap3A_52 = vector.shape_cast %swap3A_51 : vector<16xi32> to vector<16xi32>
      %swap3A_53 = vector.shape_cast %and3A_49 : vector<16xi32> to vector<16xi32>
      tpu.vector_store %arg8[%swap3A_50], %swap3A_53 {strides = array<i32>} : memref<80xi32, #tpu.memory_space<vmem>>, vector<16xi32>,
      %get3A_54 = arith.index_cast %scan3A_21 : i32 to index
      %get3A_55 = arith.constant 32 : index
      %get3A_56 = tpu.vector_load %arg6[%get3A_54, %get3A_55] {strides = array<i32>} : memref<125x80xi32, #tpu.memory_space<vmem>>, vector<1x16xi32>,
      %get3A_57 = vector.shape_cast %get3A_56 : vector<1x16xi32> to vector<16xi32>
      %shift_right_logical3A_58 = arith.constant 14 : i32
      %shift_right_logical3A_59 = vector.broadcast %shift_right_logical3A_58 : i32 to vector<16xi32>
      %shift_right_logical3A_60 = arith.shrui %get3A_57, %shift_right_logical3A_59 : vector<16xi32>
      %swap3A_61 = arith.constant 32 : index
      %swap3A_62 = tpu.vector_load %arg7[%swap3A_61] {strides = array<i32>} : memref<80xi32, #tpu.memory_space<vmem>>, vector<16xi32>,
      %swap3A_63 = vector.shape_cast %swap3A_62 : vector<16xi32> to vector<16xi32>
      %swap3A_64 = vector.shape_cast %shift_right_logical3A_60 : vector<16xi32> to vector<16xi32>
      tpu.vector_store %arg7[%swap3A_61], %swap3A_64 {strides = array<i32>} : memref<80xi32, #tpu.memory_space<vmem>>, vector<16xi32>,
      %and3A_65 = arith.constant 16383 : i32
      %and3A_66 = vector.broadcast %and3A_65 : i32 to vector<16xi32>
      %and3A_67 = arith.andi %get3A_57, %and3A_66 : vector<16xi32>
      %swap3A_68 = arith.constant 32 : index
      %swap3A_69 = tpu.vector_load %arg8[%swap3A_68] {strides = array<i32>} : memref<80xi32, #tpu.memory_space<vmem>>, vector<16xi32>,
      %swap3A_70 = vector.shape_cast %swap3A_69 : vector<16xi32> to vector<16xi32>
      %swap3A_71 = vector.shape_cast %and3A_67 : vector<16xi32> to vector<16xi32>
      tpu.vector_store %arg8[%swap3A_68], %swap3A_71 {strides = array<i32>} : memref<80xi32, #tpu.memory_space<vmem>>, vector<16xi32>,
      %get3A_72 = arith.index_cast %scan3A_21 : i32 to index
      %get3A_73 = arith.constant 48 : index
      %get3A_74 = tpu.vector_load %arg6[%get3A_72, %get3A_73] {strides = array<i32>} : memref<125x80xi32, #tpu.memory_space<vmem>>, vector<1x16xi32>,
      %get3A_75 = vector.shape_cast %get3A_74 : vector<1x16xi32> to vector<16xi32>
      %shift_right_logical3A_76 = arith.constant 14 : i32
      %shift_right_logical3A_77 = vector.broadcast %shift_right_logical3A_76 : i32 to vector<16xi32>
      %shift_right_logical3A_78 = arith.shrui %get3A_75, %shift_right_logical3A_77 : vector<16xi32>
      %swap3A_79 = arith.constant 48 : index
      %swap3A_80 = tpu.vector_load %arg7[%swap3A_79] {strides = array<i32>} : memref<80xi32, #tpu.memory_space<vmem>>, vector<16xi32>,
      %swap3A_81 = vector.shape_cast %swap3A_80 : vector<16xi32> to vector<16xi32>
      %swap3A_82 = vector.shape_cast %shift_right_logical3A_78 : vector<16xi32> to vector<16xi32>
      tpu.vector_store %arg7[%swap3A_79], %swap3A_82 {strides = array<i32>} : memref<80xi32, #tpu.memory_space<vmem>>, vector<16xi32>,
      %and3A_83 = arith.constant 16383 : i32
      %and3A_84 = vector.broadcast %and3A_83 : i32 to vector<16xi32>
      %and3A_85 = arith.andi %get3A_75, %and3A_84 : vector<16xi32>
      %swap3A_86 = arith.constant 48 : index
      %swap3A_87 = tpu.vector_load %arg8[%swap3A_86] {strides = array<i32>} : memref<80xi32, #tpu.memory_space<vmem>>, vector<16xi32>,
      %swap3A_88 = vector.shape_cast %swap3A_87 : vector<16xi32> to vector<16xi32>
      %swap3A_89 = vector.shape_cast %and3A_85 : vector<16xi32> to vector<16xi32>
      tpu.vector_store %arg8[%swap3A_86], %swap3A_89 {strides = array<i32>} : memref<80xi32, #tpu.memory_space<vmem>>, vector<16xi32>,
      %get3A_90 = arith.index_cast %scan3A_21 : i32 to index
      %get3A_91 = arith.constant 64 : index
      %get3A_92 = tpu.vector_load %arg6[%get3A_90, %get3A_91] {strides = array<i32>} : memref<125x80xi32, #tpu.memory_space<vmem>>, vector<1x16xi32>,
      %get3A_93 = vector.shape_cast %get3A_92 : vector<1x16xi32> to vector<16xi32>
      %shift_right_logical3A_94 = arith.constant 14 : i32
      %shift_right_logical3A_95 = vector.broadcast %shift_right_logical3A_94 : i32 to vector<16xi32>
      %shift_right_logical3A_96 = arith.shrui %get3A_93, %shift_right_logical3A_95 : vector<16xi32>
      %swap3A_97 = arith.constant 64 : index
      %swap3A_98 = tpu.vector_load %arg7[%swap3A_97] {strides = array<i32>} : memref<80xi32, #tpu.memory_space<vmem>>, vector<16xi32>,
      %swap3A_99 = vector.shape_cast %swap3A_98 : vector<16xi32> to vector<16xi32>
      %swap3A_100 = vector.shape_cast %shift_right_logical3A_96 : vector<16xi32> to vector<16xi32>
      tpu.vector_store %arg7[%swap3A_97], %swap3A_100 {strides = array<i32>} : memref<80xi32, #tpu.memory_space<vmem>>, vector<16xi32>,
      %and3A_101 = arith.constant 16383 : i32
      %and3A_102 = vector.broadcast %and3A_101 : i32 to vector<16xi32>
      %and3A_103 = arith.andi %get3A_93, %and3A_102 : vector<16xi32>
      %swap3A_104 = arith.constant 64 : index
      %swap3A_105 = tpu.vector_load %arg8[%swap3A_104] {strides = array<i32>} : memref<80xi32, #tpu.memory_space<vmem>>, vector<16xi32>,
      %swap3A_106 = vector.shape_cast %swap3A_105 : vector<16xi32> to vector<16xi32>
      %swap3A_107 = vector.shape_cast %and3A_103 : vector<16xi32> to vector<16xi32>
      tpu.vector_store %arg8[%swap3A_104], %swap3A_107 {strides = array<i32>} : memref<80xi32, #tpu.memory_space<vmem>>, vector<16xi32>,
      %dma_start3A = arith.constant 0 : i32
      %dma_start3A_108 = arith.constant 0 : i32
      %dma_start3A_109 = tpu.memref_slice %arg2[%dma_start3A, %dma_start3A_108] : memref<10000x144xf32, #tpu.memory_space<hbm>> -> memref<10000x144xf32, #tpu.memory_space<hbm>>
      tpu.enqueue_indirect_dma source(%dma_start3A_109 : memref<10000x144xf32, #tpu.memory_space<hbm>>) target(%arg9 : memref<80x144xf32, #tpu.memory_space<vmem>>) offsets(%arg7 : memref<80xi32, #tpu.memory_space<vmem>>) semaphore(%arg11 : memref<!tpu.dma_semaphore, #tpu.memory_space<semaphore_mem>>)
      %dma_wait3A = arith.constant 0 : i32
      %dma_wait3A_110 = arith.constant 0 : i32
      %dma_wait3A_111 = tpu.memref_slice %arg2[%dma_wait3A, %dma_wait3A_110] : memref<10000x144xf32, #tpu.memory_space<hbm>> -> memref<10000x144xf32, #tpu.memory_space<hbm>>
      tpu.wait_indirect_dma semaphore(%arg11 : memref<!tpu.dma_semaphore, #tpu.memory_space<semaphore_mem>>) src(%dma_wait3A_111 : memref<10000x144xf32, #tpu.memory_space<hbm>>) dst(%arg9 : memref<80x144xf32, #tpu.memory_space<vmem>>)
      "tpu.region"() ({
        %run_scoped3A = tpu.sem_alloc : memref<!tpu.dma_semaphore, #tpu.memory_space<semaphore_mem>>
        %dma_start3A_112 = arith.constant 0 : i32
        %dma_start3A_113 = arith.constant 0 : i32
        %dma_start3A_114 = tpu.memref_slice %arg10[%dma_start3A_112, %dma_start3A_113] : memref<10240x144xf32, #tpu.memory_space<vmem_shared>> -> memref<10240x144xf32, #tpu.memory_space<vmem_shared>>
        tpu.enqueue_indirect_dma source(%arg9 : memref<80x144xf32, #tpu.memory_space<vmem>>) target(%dma_start3A_114 : memref<10240x144xf32, #tpu.memory_space<vmem_shared>>) offsets(%arg8 : memref<80xi32, #tpu.memory_space<vmem>>) semaphore(%run_scoped3A : memref<!tpu.dma_semaphore, #tpu.memory_space<semaphore_mem>>) {add = true}
        %dma_wait3A_115 = arith.constant 0 : i32
        %dma_wait3A_116 = arith.constant 0 : i32
        %dma_wait3A_117 = tpu.memref_slice %arg10[%dma_wait3A_115, %dma_wait3A_116] : memref<10240x144xf32, #tpu.memory_space<vmem_shared>> -> memref<10240x144xf32, #tpu.memory_space<vmem_shared>>
        tpu.wait_indirect_dma semaphore(%run_scoped3A : memref<!tpu.dma_semaphore, #tpu.memory_space<semaphore_mem>>) src(%arg9 : memref<80x144xf32, #tpu.memory_space<vmem>>) dst(%dma_wait3A_117 : memref<10240x144xf32, #tpu.memory_space<vmem_shared>>)
        tpu.yield
      }) : () -> ()
    }
    %scan3A_13 = arith.constant 125 : i32
    %barrier3A_14 = arith.constant 0 : index
    tpu.barrier barrier_id(%barrier3A_14)
    %scan3A_15 = arith.constant 0 : i32
    %scan3A_16 = arith.constant 0 : i32
    %scan3A_17 = arith.constant 8 : i32
    %scan3A_18 = arith.addi %scan3A_16, %scan3A_17 : i32
    %scan3A_19 = arith.constant 1 : i32
    scf.for %scan3A_21 = %scan3A_16 to %scan3A_18 step %scan3A_19  : i32 {
      %mul3A_22 = arith.constant 80 : i32
      %mul3A_23 = arith.muli %scan3A_21, %mul3A_22 : i32
      %add3A_24 = arith.addi %mul3A_2, %mul3A_23 : i32
      "tpu.region"() ({
        %run_scoped3A = tpu.sem_alloc : memref<!tpu.dma_semaphore, #tpu.memory_space<semaphore_mem>>
        %dma_start3A = arith.constant 0 : i32
        %dma_start3A_28 = tpu.memref_slice %arg10[%add3A_24, %dma_start3A] : memref<10240x144xf32, #tpu.memory_space<vmem_shared>> -> memref<80x144xf32, #tpu.memory_space<vmem_shared>>
        %dma_start3A_29 = arith.constant 0 : i32
        %dma_start3A_30 = tpu.memref_slice %arg10[%add3A_24, %dma_start3A_29] : memref<10240x144xf32, #tpu.memory_space<vmem_shared>> -> memref<80x144xf32, #tpu.memory_space<vmem_shared>>
        tpu.enqueue_dma source(%dma_start3A_30 : memref<80x144xf32, #tpu.memory_space<vmem_shared>>) target(%arg9 : memref<80x144xf32, #tpu.memory_space<vmem>>) target_semaphore(%run_scoped3A : memref<!tpu.dma_semaphore, #tpu.memory_space<semaphore_mem>>)
        %dma_wait3A = arith.constant 0 : i32
        %dma_wait3A_31 = tpu.memref_slice %arg10[%add3A_24, %dma_wait3A] : memref<10240x144xf32, #tpu.memory_space<vmem_shared>> -> memref<80x144xf32, #tpu.memory_space<vmem_shared>>
        %dma_wait3A_32 = arith.constant 0 : i32
        %dma_wait3A_33 = tpu.memref_slice %arg10[%add3A_24, %dma_wait3A_32] : memref<10240x144xf32, #tpu.memory_space<vmem_shared>> -> memref<80x144xf32, #tpu.memory_space<vmem_shared>>
        tpu.wait_dma2 semaphore(%run_scoped3A : memref<!tpu.dma_semaphore, #tpu.memory_space<semaphore_mem>>) src(%dma_wait3A_33 : memref<80x144xf32, #tpu.memory_space<vmem_shared>>) dst(%arg9 : memref<80x144xf32, #tpu.memory_space<vmem>>)
        tpu.yield
      }) : () -> ()
      %mul3A_25 = arith.constant 80 : i32
      %mul3A_26 = arith.muli %scan3A_21, %mul3A_25 : i32
      %add3A_27 = arith.addi %mul3A_2, %mul3A_26 : i32
      "tpu.region"() ({
        %run_scoped3A = tpu.sem_alloc : memref<!tpu.dma_semaphore, #tpu.memory_space<semaphore_mem>>
        %dma_start3A = arith.constant 0 : i32
        %dma_start3A_28 = arith.constant 0 : i32
        %dma_start3A_29 = tpu.memref_slice %arg5[%arg0, %dma_start3A, %dma_start3A_28] : memref<2x10240x144xf32, #tpu.memory_space<hbm>> -> memref<1x10240x144xf32, #tpu.memory_space<hbm>>
        %dma_start3A_30 = tpu.memref_squeeze %dma_start3A_29 : memref<1x10240x144xf32, #tpu.memory_space<hbm>> -> memref<10240x144xf32, #tpu.memory_space<hbm>>
        %dma_start3A_31 = arith.constant 0 : i32
        %dma_start3A_32 = tpu.memref_slice %dma_start3A_30[%add3A_27, %dma_start3A_31] : memref<10240x144xf32, #tpu.memory_space<hbm>> -> memref<80x144xf32, #tpu.memory_space<hbm>>
        %dma_start3A_33 = arith.constant 0 : i32
        %dma_start3A_34 = arith.constant 0 : i32
        %dma_start3A_35 = tpu.memref_slice %arg5[%arg0, %dma_start3A_33, %dma_start3A_34] : memref<2x10240x144xf32, #tpu.memory_space<hbm>> -> memref<1x10240x144xf32, #tpu.memory_space<hbm>>
        %dma_start3A_36 = tpu.memref_squeeze %dma_start3A_35 : memref<1x10240x144xf32, #tpu.memory_space<hbm>> -> memref<10240x144xf32, #tpu.memory_space<hbm>>
        %dma_start3A_37 = arith.constant 0 : i32
        %dma_start3A_38 = tpu.memref_slice %dma_start3A_36[%add3A_27, %dma_start3A_37] : memref<10240x144xf32, #tpu.memory_space<hbm>> -> memref<80x144xf32, #tpu.memory_space<hbm>>
        tpu.enqueue_dma source(%arg9 : memref<80x144xf32, #tpu.memory_space<vmem>>) target(%dma_start3A_38 : memref<80x144xf32, #tpu.memory_space<hbm>>) target_semaphore(%run_scoped3A : memref<!tpu.dma_semaphore, #tpu.memory_space<semaphore_mem>>)
        %dma_wait3A = arith.constant 0 : i32
        %dma_wait3A_39 = arith.constant 0 : i32
        %dma_wait3A_40 = tpu.memref_slice %arg5[%arg0, %dma_wait3A, %dma_wait3A_39] : memref<2x10240x144xf32, #tpu.memory_space<hbm>> -> memref<1x10240x144xf32, #tpu.memory_space<hbm>>
        %dma_wait3A_41 = tpu.memref_squeeze %dma_wait3A_40 : memref<1x10240x144xf32, #tpu.memory_space<hbm>> -> memref<10240x144xf32, #tpu.memory_space<hbm>>
        %dma_wait3A_42 = arith.constant 0 : i32
        %dma_wait3A_43 = tpu.memref_slice %dma_wait3A_41[%add3A_27, %dma_wait3A_42] : memref<10240x144xf32, #tpu.memory_space<hbm>> -> memref<80x144xf32, #tpu.memory_space<hbm>>
        %dma_wait3A_44 = arith.constant 0 : i32
        %dma_wait3A_45 = arith.constant 0 : i32
        %dma_wait3A_46 = tpu.memref_slice %arg5[%arg0, %dma_wait3A_44, %dma_wait3A_45] : memref<2x10240x144xf32, #tpu.memory_space<hbm>> -> memref<1x10240x144xf32, #tpu.memory_space<hbm>>
        %dma_wait3A_47 = tpu.memref_squeeze %dma_wait3A_46 : memref<1x10240x144xf32, #tpu.memory_space<hbm>> -> memref<10240x144xf32, #tpu.memory_space<hbm>>
        %dma_wait3A_48 = arith.constant 0 : i32
        %dma_wait3A_49 = tpu.memref_slice %dma_wait3A_47[%add3A_27, %dma_wait3A_48] : memref<10240x144xf32, #tpu.memory_space<hbm>> -> memref<80x144xf32, #tpu.memory_space<hbm>>
        tpu.wait_dma2 semaphore(%run_scoped3A : memref<!tpu.dma_semaphore, #tpu.memory_space<semaphore_mem>>) src(%arg9 : memref<80x144xf32, #tpu.memory_space<vmem>>) dst(%dma_wait3A_49 : memref<80x144xf32, #tpu.memory_space<hbm>>)
        tpu.yield
      }) : () -> ()
    }
    %scan3A_20 = arith.constant 8 : i32
    return
  }
}

#map = affine_map<(d0, d1) -> (0, 0)>
#map1 = affine_map<(d0, d1) -> (0, 0, 0)>
module attributes {stable_mosaic.version = 14 : i64} {
  func.func @_agg(%arg0: i32, %arg1: i32, %arg2: memref<10000x128xf32, #tpu.memory_space<hbm>>, %arg3: memref<32x125x80xi32, #tpu.memory_space<hbm>>, %arg4: memref<80x128xf32, #tpu.memory_space<hbm>>, %arg5: memref<2x10240x128xf32, #tpu.memory_space<hbm>>, %arg6: memref<125x80xi32, #tpu.memory_space<vmem>>, %arg7: memref<80xi32, #tpu.memory_space<vmem>>, %arg8: memref<80xi32, #tpu.memory_space<vmem>>, %arg9: memref<80x128xf32, #tpu.memory_space<vmem>>, %arg10: memref<10240x128xf32, #tpu.memory_space<vmem_shared>>, %arg11: memref<!tpu.dma_semaphore, #tpu.memory_space<semaphore_mem>>) attributes {dimension_semantics = [#tpu.dimension_semantics<core_parallel>, #tpu.dimension_semantics<subcore_parallel>], iteration_bounds = array<i64: 2, 16>, scalar_prefetch = 0 : i64, scratch_operands = 6 : i64, tpu.core_type = #tpu.core_type<sc_vector_subcore>, window_params = [{transform_indices = #map}, {transform_indices = #map1}, {transform_indices = #map}, {transform_indices = #map1}]} {
    %mul3A = arith.constant 16 : i32
    %mul3A_0 = arith.muli %arg0, %mul3A : i32
    %add3A = arith.addi %mul3A_0, %arg1 : i32
    %mul3A_1 = arith.constant 640 : i32
    %mul3A_2 = arith.muli %arg1, %mul3A_1 : i32
    "tpu.region"() ({
      %run_scoped3A = tpu.sem_alloc : memref<!tpu.dma_semaphore, #tpu.memory_space<semaphore_mem>>
      %dma_start3A = arith.constant 0 : i32
      %dma_start3A_21 = arith.constant 0 : i32
      %dma_start3A_22 = tpu.memref_slice %arg3[%add3A, %dma_start3A, %dma_start3A_21] : memref<32x125x80xi32, #tpu.memory_space<hbm>> -> memref<1x125x80xi32, #tpu.memory_space<hbm>>
      %dma_start3A_23 = tpu.memref_squeeze %dma_start3A_22 : memref<1x125x80xi32, #tpu.memory_space<hbm>> -> memref<125x80xi32, #tpu.memory_space<hbm>>
      %dma_start3A_24 = arith.constant 0 : i32
      %dma_start3A_25 = arith.constant 0 : i32
      %dma_start3A_26 = tpu.memref_slice %arg3[%add3A, %dma_start3A_24, %dma_start3A_25] : memref<32x125x80xi32, #tpu.memory_space<hbm>> -> memref<1x125x80xi32, #tpu.memory_space<hbm>>
      %dma_start3A_27 = tpu.memref_squeeze %dma_start3A_26 : memref<1x125x80xi32, #tpu.memory_space<hbm>> -> memref<125x80xi32, #tpu.memory_space<hbm>>
      tpu.enqueue_dma source(%dma_start3A_27 : memref<125x80xi32, #tpu.memory_space<hbm>>) target(%arg6 : memref<125x80xi32, #tpu.memory_space<vmem>>) target_semaphore(%run_scoped3A : memref<!tpu.dma_semaphore, #tpu.memory_space<semaphore_mem>>)
      %dma_wait3A = arith.constant 0 : i32
      %dma_wait3A_28 = arith.constant 0 : i32
      %dma_wait3A_29 = tpu.memref_slice %arg3[%add3A, %dma_wait3A, %dma_wait3A_28] : memref<32x125x80xi32, #tpu.memory_space<hbm>> -> memref<1x125x80xi32, #tpu.memory_space<hbm>>
      %dma_wait3A_30 = tpu.memref_squeeze %dma_wait3A_29 : memref<1x125x80xi32, #tpu.memory_space<hbm>> -> memref<125x80xi32, #tpu.memory_space<hbm>>
      %dma_wait3A_31 = arith.constant 0 : i32
      %dma_wait3A_32 = arith.constant 0 : i32
      %dma_wait3A_33 = tpu.memref_slice %arg3[%add3A, %dma_wait3A_31, %dma_wait3A_32] : memref<32x125x80xi32, #tpu.memory_space<hbm>> -> memref<1x125x80xi32, #tpu.memory_space<hbm>>
      %dma_wait3A_34 = tpu.memref_squeeze %dma_wait3A_33 : memref<1x125x80xi32, #tpu.memory_space<hbm>> -> memref<125x80xi32, #tpu.memory_space<hbm>>
      tpu.wait_dma2 semaphore(%run_scoped3A : memref<!tpu.dma_semaphore, #tpu.memory_space<semaphore_mem>>) src(%dma_wait3A_34 : memref<125x80xi32, #tpu.memory_space<hbm>>) dst(%arg6 : memref<125x80xi32, #tpu.memory_space<vmem>>)
      tpu.yield
    }) : () -> ()
    "tpu.region"() ({
      %run_scoped3A = tpu.sem_alloc : memref<!tpu.dma_semaphore, #tpu.memory_space<semaphore_mem>>
      tpu.enqueue_dma source(%arg4 : memref<80x128xf32, #tpu.memory_space<hbm>>) target(%arg9 : memref<80x128xf32, #tpu.memory_space<vmem>>) target_semaphore(%run_scoped3A : memref<!tpu.dma_semaphore, #tpu.memory_space<semaphore_mem>>)
      tpu.wait_dma2 semaphore(%run_scoped3A : memref<!tpu.dma_semaphore, #tpu.memory_space<semaphore_mem>>) src(%arg4 : memref<80x128xf32, #tpu.memory_space<hbm>>) dst(%arg9 : memref<80x128xf32, #tpu.memory_space<vmem>>)
      tpu.yield
    }) : () -> ()
    %scan3A = arith.constant 0 : i32
    %scan3A_3 = arith.constant 0 : i32
    %scan3A_4 = arith.constant 8 : i32
    %scan3A_5 = arith.addi %scan3A_3, %scan3A_4 : i32
    %scan3A_6 = arith.constant 1 : i32
    scf.for %scan3A_21 = %scan3A_3 to %scan3A_5 step %scan3A_6  : i32 {
      %mul3A_22 = arith.constant 80 : i32
      %mul3A_23 = arith.muli %scan3A_21, %mul3A_22 : i32
      %add3A_24 = arith.addi %mul3A_2, %mul3A_23 : i32
      "tpu.region"() ({
        %run_scoped3A = tpu.sem_alloc : memref<!tpu.dma_semaphore, #tpu.memory_space<semaphore_mem>>
        %dma_start3A = arith.constant 0 : i32
        %dma_start3A_25 = tpu.memref_slice %arg10[%add3A_24, %dma_start3A] : memref<10240x128xf32, #tpu.memory_space<vmem_shared>> -> memref<80x128xf32, #tpu.memory_space<vmem_shared>>
        %dma_start3A_26 = arith.constant 0 : i32
        %dma_start3A_27 = tpu.memref_slice %arg10[%add3A_24, %dma_start3A_26] : memref<10240x128xf32, #tpu.memory_space<vmem_shared>> -> memref<80x128xf32, #tpu.memory_space<vmem_shared>>
        tpu.enqueue_dma source(%arg9 : memref<80x128xf32, #tpu.memory_space<vmem>>) target(%dma_start3A_27 : memref<80x128xf32, #tpu.memory_space<vmem_shared>>) target_semaphore(%run_scoped3A : memref<!tpu.dma_semaphore, #tpu.memory_space<semaphore_mem>>)
        %dma_wait3A = arith.constant 0 : i32
        %dma_wait3A_28 = tpu.memref_slice %arg10[%add3A_24, %dma_wait3A] : memref<10240x128xf32, #tpu.memory_space<vmem_shared>> -> memref<80x128xf32, #tpu.memory_space<vmem_shared>>
        %dma_wait3A_29 = arith.constant 0 : i32
        %dma_wait3A_30 = tpu.memref_slice %arg10[%add3A_24, %dma_wait3A_29] : memref<10240x128xf32, #tpu.memory_space<vmem_shared>> -> memref<80x128xf32, #tpu.memory_space<vmem_shared>>
        tpu.wait_dma2 semaphore(%run_scoped3A : memref<!tpu.dma_semaphore, #tpu.memory_space<semaphore_mem>>) src(%arg9 : memref<80x128xf32, #tpu.memory_space<vmem>>) dst(%dma_wait3A_30 : memref<80x128xf32, #tpu.memory_space<vmem_shared>>)
        tpu.yield
      }) : () -> ()
    }
    %scan3A_7 = arith.constant 8 : i32
    %barrier3A = arith.constant 0 : index
    tpu.barrier barrier_id(%barrier3A)
    %scan3A_8 = arith.constant 0 : i32
    %scan3A_9 = arith.constant 0 : i32
    %scan3A_10 = arith.constant 125 : i32
    %scan3A_11 = arith.addi %scan3A_9, %scan3A_10 : i32
    %scan3A_12 = arith.constant 1 : i32
    scf.for %scan3A_21 = %scan3A_9 to %scan3A_11 step %scan3A_12  : i32 {
      %get3A = arith.index_cast %scan3A_21 : i32 to index
      %get3A_22 = arith.constant 0 : index
      %get3A_23 = tpu.vector_load %arg6[%get3A, %get3A_22] {strides = array<i32>} : memref<125x80xi32, #tpu.memory_space<vmem>>, vector<1x16xi32>,
      %get3A_24 = vector.shape_cast %get3A_23 : vector<1x16xi32> to vector<16xi32>
      %shift_right_logical3A = arith.constant 14 : i32
      %shift_right_logical3A_25 = vector.broadcast %shift_right_logical3A : i32 to vector<16xi32>
      %shift_right_logical3A_26 = arith.shrui %get3A_24, %shift_right_logical3A_25 : vector<16xi32>
      %swap3A = arith.constant 0 : index
      %swap3A_27 = tpu.vector_load %arg7[%swap3A] {strides = array<i32>} : memref<80xi32, #tpu.memory_space<vmem>>, vector<16xi32>,
      %swap3A_28 = vector.shape_cast %swap3A_27 : vector<16xi32> to vector<16xi32>
      %swap3A_29 = vector.shape_cast %shift_right_logical3A_26 : vector<16xi32> to vector<16xi32>
      tpu.vector_store %arg7[%swap3A], %swap3A_29 {strides = array<i32>} : memref<80xi32, #tpu.memory_space<vmem>>, vector<16xi32>,
      %and3A = arith.constant 16383 : i32
      %and3A_30 = vector.broadcast %and3A : i32 to vector<16xi32>
      %and3A_31 = arith.andi %get3A_24, %and3A_30 : vector<16xi32>
      %swap3A_32 = arith.constant 0 : index
      %swap3A_33 = tpu.vector_load %arg8[%swap3A_32] {strides = array<i32>} : memref<80xi32, #tpu.memory_space<vmem>>, vector<16xi32>,
      %swap3A_34 = vector.shape_cast %swap3A_33 : vector<16xi32> to vector<16xi32>
      %swap3A_35 = vector.shape_cast %and3A_31 : vector<16xi32> to vector<16xi32>
      tpu.vector_store %arg8[%swap3A_32], %swap3A_35 {strides = array<i32>} : memref<80xi32, #tpu.memory_space<vmem>>, vector<16xi32>,
      %get3A_36 = arith.index_cast %scan3A_21 : i32 to index
      %get3A_37 = arith.constant 16 : index
      %get3A_38 = tpu.vector_load %arg6[%get3A_36, %get3A_37] {strides = array<i32>} : memref<125x80xi32, #tpu.memory_space<vmem>>, vector<1x16xi32>,
      %get3A_39 = vector.shape_cast %get3A_38 : vector<1x16xi32> to vector<16xi32>
      %shift_right_logical3A_40 = arith.constant 14 : i32
      %shift_right_logical3A_41 = vector.broadcast %shift_right_logical3A_40 : i32 to vector<16xi32>
      %shift_right_logical3A_42 = arith.shrui %get3A_39, %shift_right_logical3A_41 : vector<16xi32>
      %swap3A_43 = arith.constant 16 : index
      %swap3A_44 = tpu.vector_load %arg7[%swap3A_43] {strides = array<i32>} : memref<80xi32, #tpu.memory_space<vmem>>, vector<16xi32>,
      %swap3A_45 = vector.shape_cast %swap3A_44 : vector<16xi32> to vector<16xi32>
      %swap3A_46 = vector.shape_cast %shift_right_logical3A_42 : vector<16xi32> to vector<16xi32>
      tpu.vector_store %arg7[%swap3A_43], %swap3A_46 {strides = array<i32>} : memref<80xi32, #tpu.memory_space<vmem>>, vector<16xi32>,
      %and3A_47 = arith.constant 16383 : i32
      %and3A_48 = vector.broadcast %and3A_47 : i32 to vector<16xi32>
      %and3A_49 = arith.andi %get3A_39, %and3A_48 : vector<16xi32>
      %swap3A_50 = arith.constant 16 : index
      %swap3A_51 = tpu.vector_load %arg8[%swap3A_50] {strides = array<i32>} : memref<80xi32, #tpu.memory_space<vmem>>, vector<16xi32>,
      %swap3A_52 = vector.shape_cast %swap3A_51 : vector<16xi32> to vector<16xi32>
      %swap3A_53 = vector.shape_cast %and3A_49 : vector<16xi32> to vector<16xi32>
      tpu.vector_store %arg8[%swap3A_50], %swap3A_53 {strides = array<i32>} : memref<80xi32, #tpu.memory_space<vmem>>, vector<16xi32>,
      %get3A_54 = arith.index_cast %scan3A_21 : i32 to index
      %get3A_55 = arith.constant 32 : index
      %get3A_56 = tpu.vector_load %arg6[%get3A_54, %get3A_55] {strides = array<i32>} : memref<125x80xi32, #tpu.memory_space<vmem>>, vector<1x16xi32>,
      %get3A_57 = vector.shape_cast %get3A_56 : vector<1x16xi32> to vector<16xi32>
      %shift_right_logical3A_58 = arith.constant 14 : i32
      %shift_right_logical3A_59 = vector.broadcast %shift_right_logical3A_58 : i32 to vector<16xi32>
      %shift_right_logical3A_60 = arith.shrui %get3A_57, %shift_right_logical3A_59 : vector<16xi32>
      %swap3A_61 = arith.constant 32 : index
      %swap3A_62 = tpu.vector_load %arg7[%swap3A_61] {strides = array<i32>} : memref<80xi32, #tpu.memory_space<vmem>>, vector<16xi32>,
      %swap3A_63 = vector.shape_cast %swap3A_62 : vector<16xi32> to vector<16xi32>
      %swap3A_64 = vector.shape_cast %shift_right_logical3A_60 : vector<16xi32> to vector<16xi32>
      tpu.vector_store %arg7[%swap3A_61], %swap3A_64 {strides = array<i32>} : memref<80xi32, #tpu.memory_space<vmem>>, vector<16xi32>,
      %and3A_65 = arith.constant 16383 : i32
      %and3A_66 = vector.broadcast %and3A_65 : i32 to vector<16xi32>
      %and3A_67 = arith.andi %get3A_57, %and3A_66 : vector<16xi32>
      %swap3A_68 = arith.constant 32 : index
      %swap3A_69 = tpu.vector_load %arg8[%swap3A_68] {strides = array<i32>} : memref<80xi32, #tpu.memory_space<vmem>>, vector<16xi32>,
      %swap3A_70 = vector.shape_cast %swap3A_69 : vector<16xi32> to vector<16xi32>
      %swap3A_71 = vector.shape_cast %and3A_67 : vector<16xi32> to vector<16xi32>
      tpu.vector_store %arg8[%swap3A_68], %swap3A_71 {strides = array<i32>} : memref<80xi32, #tpu.memory_space<vmem>>, vector<16xi32>,
      %get3A_72 = arith.index_cast %scan3A_21 : i32 to index
      %get3A_73 = arith.constant 48 : index
      %get3A_74 = tpu.vector_load %arg6[%get3A_72, %get3A_73] {strides = array<i32>} : memref<125x80xi32, #tpu.memory_space<vmem>>, vector<1x16xi32>,
      %get3A_75 = vector.shape_cast %get3A_74 : vector<1x16xi32> to vector<16xi32>
      %shift_right_logical3A_76 = arith.constant 14 : i32
      %shift_right_logical3A_77 = vector.broadcast %shift_right_logical3A_76 : i32 to vector<16xi32>
      %shift_right_logical3A_78 = arith.shrui %get3A_75, %shift_right_logical3A_77 : vector<16xi32>
      %swap3A_79 = arith.constant 48 : index
      %swap3A_80 = tpu.vector_load %arg7[%swap3A_79] {strides = array<i32>} : memref<80xi32, #tpu.memory_space<vmem>>, vector<16xi32>,
      %swap3A_81 = vector.shape_cast %swap3A_80 : vector<16xi32> to vector<16xi32>
      %swap3A_82 = vector.shape_cast %shift_right_logical3A_78 : vector<16xi32> to vector<16xi32>
      tpu.vector_store %arg7[%swap3A_79], %swap3A_82 {strides = array<i32>} : memref<80xi32, #tpu.memory_space<vmem>>, vector<16xi32>,
      %and3A_83 = arith.constant 16383 : i32
      %and3A_84 = vector.broadcast %and3A_83 : i32 to vector<16xi32>
      %and3A_85 = arith.andi %get3A_75, %and3A_84 : vector<16xi32>
      %swap3A_86 = arith.constant 48 : index
      %swap3A_87 = tpu.vector_load %arg8[%swap3A_86] {strides = array<i32>} : memref<80xi32, #tpu.memory_space<vmem>>, vector<16xi32>,
      %swap3A_88 = vector.shape_cast %swap3A_87 : vector<16xi32> to vector<16xi32>
      %swap3A_89 = vector.shape_cast %and3A_85 : vector<16xi32> to vector<16xi32>
      tpu.vector_store %arg8[%swap3A_86], %swap3A_89 {strides = array<i32>} : memref<80xi32, #tpu.memory_space<vmem>>, vector<16xi32>,
      %get3A_90 = arith.index_cast %scan3A_21 : i32 to index
      %get3A_91 = arith.constant 64 : index
      %get3A_92 = tpu.vector_load %arg6[%get3A_90, %get3A_91] {strides = array<i32>} : memref<125x80xi32, #tpu.memory_space<vmem>>, vector<1x16xi32>,
      %get3A_93 = vector.shape_cast %get3A_92 : vector<1x16xi32> to vector<16xi32>
      %shift_right_logical3A_94 = arith.constant 14 : i32
      %shift_right_logical3A_95 = vector.broadcast %shift_right_logical3A_94 : i32 to vector<16xi32>
      %shift_right_logical3A_96 = arith.shrui %get3A_93, %shift_right_logical3A_95 : vector<16xi32>
      %swap3A_97 = arith.constant 64 : index
      %swap3A_98 = tpu.vector_load %arg7[%swap3A_97] {strides = array<i32>} : memref<80xi32, #tpu.memory_space<vmem>>, vector<16xi32>,
      %swap3A_99 = vector.shape_cast %swap3A_98 : vector<16xi32> to vector<16xi32>
      %swap3A_100 = vector.shape_cast %shift_right_logical3A_96 : vector<16xi32> to vector<16xi32>
      tpu.vector_store %arg7[%swap3A_97], %swap3A_100 {strides = array<i32>} : memref<80xi32, #tpu.memory_space<vmem>>, vector<16xi32>,
      %and3A_101 = arith.constant 16383 : i32
      %and3A_102 = vector.broadcast %and3A_101 : i32 to vector<16xi32>
      %and3A_103 = arith.andi %get3A_93, %and3A_102 : vector<16xi32>
      %swap3A_104 = arith.constant 64 : index
      %swap3A_105 = tpu.vector_load %arg8[%swap3A_104] {strides = array<i32>} : memref<80xi32, #tpu.memory_space<vmem>>, vector<16xi32>,
      %swap3A_106 = vector.shape_cast %swap3A_105 : vector<16xi32> to vector<16xi32>
      %swap3A_107 = vector.shape_cast %and3A_103 : vector<16xi32> to vector<16xi32>
      tpu.vector_store %arg8[%swap3A_104], %swap3A_107 {strides = array<i32>} : memref<80xi32, #tpu.memory_space<vmem>>, vector<16xi32>,
      %dma_start3A = arith.constant 0 : i32
      %dma_start3A_108 = arith.constant 0 : i32
      %dma_start3A_109 = tpu.memref_slice %arg2[%dma_start3A, %dma_start3A_108] : memref<10000x128xf32, #tpu.memory_space<hbm>> -> memref<10000x128xf32, #tpu.memory_space<hbm>>
      tpu.enqueue_indirect_dma source(%dma_start3A_109 : memref<10000x128xf32, #tpu.memory_space<hbm>>) target(%arg9 : memref<80x128xf32, #tpu.memory_space<vmem>>) offsets(%arg7 : memref<80xi32, #tpu.memory_space<vmem>>) semaphore(%arg11 : memref<!tpu.dma_semaphore, #tpu.memory_space<semaphore_mem>>)
      %dma_wait3A = arith.constant 0 : i32
      %dma_wait3A_110 = arith.constant 0 : i32
      %dma_wait3A_111 = tpu.memref_slice %arg2[%dma_wait3A, %dma_wait3A_110] : memref<10000x128xf32, #tpu.memory_space<hbm>> -> memref<10000x128xf32, #tpu.memory_space<hbm>>
      tpu.wait_indirect_dma semaphore(%arg11 : memref<!tpu.dma_semaphore, #tpu.memory_space<semaphore_mem>>) src(%dma_wait3A_111 : memref<10000x128xf32, #tpu.memory_space<hbm>>) dst(%arg9 : memref<80x128xf32, #tpu.memory_space<vmem>>)
      "tpu.region"() ({
        %run_scoped3A = tpu.sem_alloc : memref<!tpu.dma_semaphore, #tpu.memory_space<semaphore_mem>>
        %dma_start3A_112 = arith.constant 0 : i32
        %dma_start3A_113 = arith.constant 0 : i32
        %dma_start3A_114 = tpu.memref_slice %arg10[%dma_start3A_112, %dma_start3A_113] : memref<10240x128xf32, #tpu.memory_space<vmem_shared>> -> memref<10240x128xf32, #tpu.memory_space<vmem_shared>>
        tpu.enqueue_indirect_dma source(%arg9 : memref<80x128xf32, #tpu.memory_space<vmem>>) target(%dma_start3A_114 : memref<10240x128xf32, #tpu.memory_space<vmem_shared>>) offsets(%arg8 : memref<80xi32, #tpu.memory_space<vmem>>) semaphore(%run_scoped3A : memref<!tpu.dma_semaphore, #tpu.memory_space<semaphore_mem>>) {add = true}
        %dma_wait3A_115 = arith.constant 0 : i32
        %dma_wait3A_116 = arith.constant 0 : i32
        %dma_wait3A_117 = tpu.memref_slice %arg10[%dma_wait3A_115, %dma_wait3A_116] : memref<10240x128xf32, #tpu.memory_space<vmem_shared>> -> memref<10240x128xf32, #tpu.memory_space<vmem_shared>>
        tpu.wait_indirect_dma semaphore(%run_scoped3A : memref<!tpu.dma_semaphore, #tpu.memory_space<semaphore_mem>>) src(%arg9 : memref<80x128xf32, #tpu.memory_space<vmem>>) dst(%dma_wait3A_117 : memref<10240x128xf32, #tpu.memory_space<vmem_shared>>)
        tpu.yield
      }) : () -> ()
    }
    %scan3A_13 = arith.constant 125 : i32
    %barrier3A_14 = arith.constant 0 : index
    tpu.barrier barrier_id(%barrier3A_14)
    %scan3A_15 = arith.constant 0 : i32
    %scan3A_16 = arith.constant 0 : i32
    %scan3A_17 = arith.constant 8 : i32
    %scan3A_18 = arith.addi %scan3A_16, %scan3A_17 : i32
    %scan3A_19 = arith.constant 1 : i32
    scf.for %scan3A_21 = %scan3A_16 to %scan3A_18 step %scan3A_19  : i32 {
      %mul3A_22 = arith.constant 80 : i32
      %mul3A_23 = arith.muli %scan3A_21, %mul3A_22 : i32
      %add3A_24 = arith.addi %mul3A_2, %mul3A_23 : i32
      "tpu.region"() ({
        %run_scoped3A = tpu.sem_alloc : memref<!tpu.dma_semaphore, #tpu.memory_space<semaphore_mem>>
        %dma_start3A = arith.constant 0 : i32
        %dma_start3A_28 = tpu.memref_slice %arg10[%add3A_24, %dma_start3A] : memref<10240x128xf32, #tpu.memory_space<vmem_shared>> -> memref<80x128xf32, #tpu.memory_space<vmem_shared>>
        %dma_start3A_29 = arith.constant 0 : i32
        %dma_start3A_30 = tpu.memref_slice %arg10[%add3A_24, %dma_start3A_29] : memref<10240x128xf32, #tpu.memory_space<vmem_shared>> -> memref<80x128xf32, #tpu.memory_space<vmem_shared>>
        tpu.enqueue_dma source(%dma_start3A_30 : memref<80x128xf32, #tpu.memory_space<vmem_shared>>) target(%arg9 : memref<80x128xf32, #tpu.memory_space<vmem>>) target_semaphore(%run_scoped3A : memref<!tpu.dma_semaphore, #tpu.memory_space<semaphore_mem>>)
        %dma_wait3A = arith.constant 0 : i32
        %dma_wait3A_31 = tpu.memref_slice %arg10[%add3A_24, %dma_wait3A] : memref<10240x128xf32, #tpu.memory_space<vmem_shared>> -> memref<80x128xf32, #tpu.memory_space<vmem_shared>>
        %dma_wait3A_32 = arith.constant 0 : i32
        %dma_wait3A_33 = tpu.memref_slice %arg10[%add3A_24, %dma_wait3A_32] : memref<10240x128xf32, #tpu.memory_space<vmem_shared>> -> memref<80x128xf32, #tpu.memory_space<vmem_shared>>
        tpu.wait_dma2 semaphore(%run_scoped3A : memref<!tpu.dma_semaphore, #tpu.memory_space<semaphore_mem>>) src(%dma_wait3A_33 : memref<80x128xf32, #tpu.memory_space<vmem_shared>>) dst(%arg9 : memref<80x128xf32, #tpu.memory_space<vmem>>)
        tpu.yield
      }) : () -> ()
      %mul3A_25 = arith.constant 80 : i32
      %mul3A_26 = arith.muli %scan3A_21, %mul3A_25 : i32
      %add3A_27 = arith.addi %mul3A_2, %mul3A_26 : i32
      "tpu.region"() ({
        %run_scoped3A = tpu.sem_alloc : memref<!tpu.dma_semaphore, #tpu.memory_space<semaphore_mem>>
        %dma_start3A = arith.constant 0 : i32
        %dma_start3A_28 = arith.constant 0 : i32
        %dma_start3A_29 = tpu.memref_slice %arg5[%arg0, %dma_start3A, %dma_start3A_28] : memref<2x10240x128xf32, #tpu.memory_space<hbm>> -> memref<1x10240x128xf32, #tpu.memory_space<hbm>>
        %dma_start3A_30 = tpu.memref_squeeze %dma_start3A_29 : memref<1x10240x128xf32, #tpu.memory_space<hbm>> -> memref<10240x128xf32, #tpu.memory_space<hbm>>
        %dma_start3A_31 = arith.constant 0 : i32
        %dma_start3A_32 = tpu.memref_slice %dma_start3A_30[%add3A_27, %dma_start3A_31] : memref<10240x128xf32, #tpu.memory_space<hbm>> -> memref<80x128xf32, #tpu.memory_space<hbm>>
        %dma_start3A_33 = arith.constant 0 : i32
        %dma_start3A_34 = arith.constant 0 : i32
        %dma_start3A_35 = tpu.memref_slice %arg5[%arg0, %dma_start3A_33, %dma_start3A_34] : memref<2x10240x128xf32, #tpu.memory_space<hbm>> -> memref<1x10240x128xf32, #tpu.memory_space<hbm>>
        %dma_start3A_36 = tpu.memref_squeeze %dma_start3A_35 : memref<1x10240x128xf32, #tpu.memory_space<hbm>> -> memref<10240x128xf32, #tpu.memory_space<hbm>>
        %dma_start3A_37 = arith.constant 0 : i32
        %dma_start3A_38 = tpu.memref_slice %dma_start3A_36[%add3A_27, %dma_start3A_37] : memref<10240x128xf32, #tpu.memory_space<hbm>> -> memref<80x128xf32, #tpu.memory_space<hbm>>
        tpu.enqueue_dma source(%arg9 : memref<80x128xf32, #tpu.memory_space<vmem>>) target(%dma_start3A_38 : memref<80x128xf32, #tpu.memory_space<hbm>>) target_semaphore(%run_scoped3A : memref<!tpu.dma_semaphore, #tpu.memory_space<semaphore_mem>>)
        %dma_wait3A = arith.constant 0 : i32
        %dma_wait3A_39 = arith.constant 0 : i32
        %dma_wait3A_40 = tpu.memref_slice %arg5[%arg0, %dma_wait3A, %dma_wait3A_39] : memref<2x10240x128xf32, #tpu.memory_space<hbm>> -> memref<1x10240x128xf32, #tpu.memory_space<hbm>>
        %dma_wait3A_41 = tpu.memref_squeeze %dma_wait3A_40 : memref<1x10240x128xf32, #tpu.memory_space<hbm>> -> memref<10240x128xf32, #tpu.memory_space<hbm>>
        %dma_wait3A_42 = arith.constant 0 : i32
        %dma_wait3A_43 = tpu.memref_slice %dma_wait3A_41[%add3A_27, %dma_wait3A_42] : memref<10240x128xf32, #tpu.memory_space<hbm>> -> memref<80x128xf32, #tpu.memory_space<hbm>>
        %dma_wait3A_44 = arith.constant 0 : i32
        %dma_wait3A_45 = arith.constant 0 : i32
        %dma_wait3A_46 = tpu.memref_slice %arg5[%arg0, %dma_wait3A_44, %dma_wait3A_45] : memref<2x10240x128xf32, #tpu.memory_space<hbm>> -> memref<1x10240x128xf32, #tpu.memory_space<hbm>>
        %dma_wait3A_47 = tpu.memref_squeeze %dma_wait3A_46 : memref<1x10240x128xf32, #tpu.memory_space<hbm>> -> memref<10240x128xf32, #tpu.memory_space<hbm>>
        %dma_wait3A_48 = arith.constant 0 : i32
        %dma_wait3A_49 = tpu.memref_slice %dma_wait3A_47[%add3A_27, %dma_wait3A_48] : memref<10240x128xf32, #tpu.memory_space<hbm>> -> memref<80x128xf32, #tpu.memory_space<hbm>>
        tpu.wait_dma2 semaphore(%run_scoped3A : memref<!tpu.dma_semaphore, #tpu.memory_space<semaphore_mem>>) src(%arg9 : memref<80x128xf32, #tpu.memory_space<vmem>>) dst(%dma_wait3A_49 : memref<80x128xf32, #tpu.memory_space<hbm>>)
        tpu.yield
      }) : () -> ()
    }
    %scan3A_20 = arith.constant 8 : i32
    return
  }
}

module attributes {stable_mosaic.version = 14 : i64} {
  func.func @_tc_pre_body(%arg0: i32, %arg1: memref<2000x128xf32, #tpu.memory_space<vmem>>, %arg2: memref<128x128xf32, #tpu.memory_space<vmem>>, %arg3: memref<2000x144xf32, #tpu.memory_space<vmem>>) attributes {dimension_semantics = [#tpu.dimension_semantics<arbitrary>], iteration_bounds = array<i64: 5>, scalar_prefetch = 0 : i64, scratch_operands = 0 : i64, tpu.core_type = #tpu.core_type<tc>, window_params = [{transform_indices = @transform_0, window_bounds = array<i64: 2000, 128>}, {pipeline_mode = #tpu.pipeline_mode<synchronous>, transform_indices = @transform_1, window_bounds = array<i64: 128, 128>}, {transform_indices = @transform_2, window_bounds = array<i64: 2000, 144>}]} {
    %get3A = arith.constant 0 : index
    %get3A_0 = arith.constant 0 : index
    %get3A_1 = vector.load %arg1[%get3A, %get3A_0] : memref<2000x128xf32, #tpu.memory_space<vmem>>, vector<2000x128xf32>
    %get3A_2 = arith.constant 0 : index
    %get3A_3 = arith.constant 0 : index
    %get3A_4 = vector.load %arg2[%get3A_2, %get3A_3] : memref<128x128xf32, #tpu.memory_space<vmem>>, vector<128x128xf32>
    %dot_general3A = arith.constant dense<0.000000e+00> : vector<2000x128xf32>
    %dot_general3A_5 = tpu.matmul %get3A_1, %get3A_4, %dot_general3A {dimension_numbers = #tpu.dot_dimension_numbers<[1], [0], [0], [1], [0, 0, 1, 1], [], []>, transpose_lhs_hint = false} : vector<2000x128xf32>, vector<128x128xf32>, vector<2000x128xf32> -> vector<2000x128xf32>
    %swap3A = arith.constant 0 : index
    %swap3A_6 = arith.constant 0 : index
    %swap3A_7 = vector.load %arg3[%swap3A, %swap3A_6] : memref<2000x144xf32, #tpu.memory_space<vmem>>, vector<2000x128xf32>
    tpu.vector_store %arg3[%swap3A, %swap3A_6], %dot_general3A_5 {strides = array<i32>} : memref<2000x144xf32, #tpu.memory_space<vmem>>, vector<2000x128xf32>,
    %broadcast_in_dim3A = arith.constant 1.000000e+00 : f32
    %broadcast_in_dim3A_8 = vector.broadcast %broadcast_in_dim3A : f32 to vector<2000x16xf32>
    %swap3A_9 = arith.constant 0 : index
    %swap3A_10 = arith.constant 128 : index
    %swap3A_11 = vector.load %arg3[%swap3A_9, %swap3A_10] : memref<2000x144xf32, #tpu.memory_space<vmem>>, vector<2000x16xf32>
    tpu.vector_store %arg3[%swap3A_9, %swap3A_10], %broadcast_in_dim3A_8 {strides = array<i32>} : memref<2000x144xf32, #tpu.memory_space<vmem>>, vector<2000x16xf32>,
    return
  }
  func.func @transform_0(%arg0: i32) -> (i32, i32) {
    %c0_i32 = arith.constant 0 : i32
    %c0_i32_0 = arith.constant 0 : i32
    return %arg0, %c0_i32 : i32, i32
  }
  func.func @transform_1(%arg0: i32) -> (i32, i32) {
    %c0_i32 = arith.constant 0 : i32
    %c0_i32_0 = arith.constant 0 : i32
    %c0_i32_1 = arith.constant 0 : i32
    return %c0_i32, %c0_i32_0 : i32, i32
  }
  func.func @transform_2(%arg0: i32) -> (i32, i32) {
    %c0_i32 = arith.constant 0 : i32
    %c0_i32_0 = arith.constant 0 : i32
    return %arg0, %c0_i32 : i32, i32
  }
}

module attributes {stable_mosaic.version = 14 : i64} {
  func.func @_tc_layer_body(%arg0: i32, %arg1: memref<2x2000x144xf32, #tpu.memory_space<vmem>>, %arg2: memref<2x2000x144xf32, #tpu.memory_space<vmem>>, %arg3: memref<2000x144xf32, #tpu.memory_space<vmem>>, %arg4: memref<2000x128xf32, #tpu.memory_space<vmem>>, %arg5: memref<128x128xf32, #tpu.memory_space<vmem>>, %arg6: memref<128x128xf32, #tpu.memory_space<vmem>>, %arg7: memref<1x128xf32, #tpu.memory_space<vmem>>, %arg8: memref<2000x128xf32, #tpu.memory_space<vmem>>) attributes {dimension_semantics = [#tpu.dimension_semantics<arbitrary>], iteration_bounds = array<i64: 5>, scalar_prefetch = 0 : i64, scratch_operands = 0 : i64, tpu.core_type = #tpu.core_type<tc>, window_params = [{transform_indices = @transform_0, window_bounds = array<i64: 2, 2000, 144>}, {transform_indices = @transform_1, window_bounds = array<i64: 2, 2000, 144>}, {transform_indices = @transform_2, window_bounds = array<i64: 2000, 144>}, {transform_indices = @transform_3, window_bounds = array<i64: 2000, 128>}, {pipeline_mode = #tpu.pipeline_mode<synchronous>, transform_indices = @transform_4, window_bounds = array<i64: 128, 128>}, {pipeline_mode = #tpu.pipeline_mode<synchronous>, transform_indices = @transform_5, window_bounds = array<i64: 128, 128>}, {pipeline_mode = #tpu.pipeline_mode<synchronous>, transform_indices = @transform_6, window_bounds = array<i64: 1, 128>}, {transform_indices = @transform_7, window_bounds = array<i64: 2000, 128>}]} {
    %get3A = arith.constant 0 : index
    %get3A_0 = arith.constant 0 : index
    %get3A_1 = arith.constant 0 : index
    %get3A_2 = vector.load %arg1[%get3A, %get3A_0, %get3A_1] : memref<2x2000x144xf32, #tpu.memory_space<vmem>>, vector<1x2000x144xf32>
    %get3A_3 = vector.shape_cast %get3A_2 : vector<1x2000x144xf32> to vector<2000x144xf32>
    %get3A_4 = arith.constant 1 : index
    %get3A_5 = arith.constant 0 : index
    %get3A_6 = arith.constant 0 : index
    %get3A_7 = vector.load %arg1[%get3A_4, %get3A_5, %get3A_6] : memref<2x2000x144xf32, #tpu.memory_space<vmem>>, vector<1x2000x144xf32>
    %get3A_8 = vector.shape_cast %get3A_7 : vector<1x2000x144xf32> to vector<2000x144xf32>
    %add3A = arith.addf %get3A_3, %get3A_8 : vector<2000x144xf32>
    %slice3A = vector.extract_strided_slice %add3A {offsets = [0, 0], sizes = [2000, 128], strides = [1, 1]} : vector<2000x144xf32> to vector<2000x128xf32>
    %get3A_9 = arith.constant 0 : index
    %get3A_10 = arith.constant 0 : index
    %get3A_11 = arith.constant 0 : index
    %get3A_12 = vector.load %arg2[%get3A_9, %get3A_10, %get3A_11] : memref<2x2000x144xf32, #tpu.memory_space<vmem>>, vector<1x2000x144xf32>
    %get3A_13 = vector.shape_cast %get3A_12 : vector<1x2000x144xf32> to vector<2000x144xf32>
    %slice3A_14 = vector.extract_strided_slice %get3A_13 {offsets = [0, 128], sizes = [2000, 1], strides = [1, 1]} : vector<2000x144xf32> to vector<2000x1xf32>
    %get3A_15 = arith.constant 1 : index
    %get3A_16 = arith.constant 0 : index
    %get3A_17 = arith.constant 0 : index
    %get3A_18 = vector.load %arg2[%get3A_15, %get3A_16, %get3A_17] : memref<2x2000x144xf32, #tpu.memory_space<vmem>>, vector<1x2000x144xf32>
    %get3A_19 = vector.shape_cast %get3A_18 : vector<1x2000x144xf32> to vector<2000x144xf32>
    %slice3A_20 = vector.extract_strided_slice %get3A_19 {offsets = [0, 128], sizes = [2000, 1], strides = [1, 1]} : vector<2000x144xf32> to vector<2000x1xf32>
    %add3A_21 = arith.addf %slice3A_14, %slice3A_20 : vector<2000x1xf32>
    %max3A = arith.constant 1.000000e+00 : f32
    %max3A_22 = vector.broadcast %max3A : f32 to vector<2000x1xf32>
    %max3A_23 = arith.maximumf %add3A_21, %max3A_22 : vector<2000x1xf32>
    %div3A = vector.broadcast %max3A_23 : vector<2000x1xf32> to vector<2000x128xf32>
    %div3A_24 = arith.divf %slice3A, %div3A : vector<2000x128xf32>
    %get3A_25 = arith.constant 0 : index
    %get3A_26 = arith.constant 0 : index
    %get3A_27 = vector.load %arg3[%get3A_25, %get3A_26] : memref<2000x144xf32, #tpu.memory_space<vmem>>, vector<2000x144xf32>
    %slice3A_28 = vector.extract_strided_slice %get3A_27 {offsets = [0, 0], sizes = [2000, 128], strides = [1, 1]} : vector<2000x144xf32> to vector<2000x128xf32>
    %get3A_29 = arith.constant 0 : index
    %get3A_30 = arith.constant 0 : index
    %get3A_31 = vector.load %arg5[%get3A_29, %get3A_30] : memref<128x128xf32, #tpu.memory_space<vmem>>, vector<128x128xf32>
    %dot_general3A = arith.constant dense<0.000000e+00> : vector<2000x128xf32>
    %dot_general3A_32 = tpu.matmul %div3A_24, %get3A_31, %dot_general3A {dimension_numbers = #tpu.dot_dimension_numbers<[1], [0], [0], [1], [0, 0, 1, 1], [], []>, transpose_lhs_hint = false} : vector<2000x128xf32>, vector<128x128xf32>, vector<2000x128xf32> -> vector<2000x128xf32>
    %get3A_33 = arith.constant 0 : index
    %get3A_34 = arith.constant 0 : index
    %get3A_35 = vector.load %arg7[%get3A_33, %get3A_34] : memref<1x128xf32, #tpu.memory_space<vmem>>, vector<1x128xf32>
    %add3A_36 = vector.broadcast %get3A_35 : vector<1x128xf32> to vector<2000x128xf32>
    %add3A_37 = arith.addf %dot_general3A_32, %add3A_36 : vector<2000x128xf32>
    %get3A_38 = arith.constant 0 : index
    %get3A_39 = arith.constant 0 : index
    %get3A_40 = vector.load %arg6[%get3A_38, %get3A_39] : memref<128x128xf32, #tpu.memory_space<vmem>>, vector<128x128xf32>
    %dot_general3A_41 = arith.constant dense<0.000000e+00> : vector<2000x128xf32>
    %dot_general3A_42 = tpu.matmul %slice3A_28, %get3A_40, %dot_general3A_41 {dimension_numbers = #tpu.dot_dimension_numbers<[1], [0], [0], [1], [0, 0, 1, 1], [], []>, transpose_lhs_hint = false} : vector<2000x128xf32>, vector<128x128xf32>, vector<2000x128xf32> -> vector<2000x128xf32>
    %add3A_43 = arith.addf %add3A_37, %dot_general3A_42 : vector<2000x128xf32>
    %max3A_44 = arith.constant 0.000000e+00 : f32
    %max3A_45 = vector.broadcast %max3A_44 : f32 to vector<2000x128xf32>
    %max3A_46 = arith.maximumf %add3A_43, %max3A_45 : vector<2000x128xf32>
    %get3A_47 = arith.constant 0 : index
    %get3A_48 = arith.constant 0 : index
    %get3A_49 = vector.load %arg4[%get3A_47, %get3A_48] : memref<2000x128xf32, #tpu.memory_space<vmem>>, vector<2000x128xf32>
    %add3A_50 = arith.addf %max3A_46, %get3A_49 : vector<2000x128xf32>
    %swap3A = arith.constant 0 : index
    %swap3A_51 = arith.constant 0 : index
    %swap3A_52 = vector.load %arg8[%swap3A, %swap3A_51] : memref<2000x128xf32, #tpu.memory_space<vmem>>, vector<2000x128xf32>
    tpu.vector_store %arg8[%swap3A, %swap3A_51], %add3A_50 {strides = array<i32>} : memref<2000x128xf32, #tpu.memory_space<vmem>>, vector<2000x128xf32>,
    return
  }
  func.func @transform_0(%arg0: i32) -> (i32, i32, i32) {
    %c0_i32 = arith.constant 0 : i32
    %c0_i32_0 = arith.constant 0 : i32
    %c0_i32_1 = arith.constant 0 : i32
    return %c0_i32, %arg0, %c0_i32_0 : i32, i32, i32
  }
  func.func @transform_1(%arg0: i32) -> (i32, i32, i32) {
    %c0_i32 = arith.constant 0 : i32
    %c0_i32_0 = arith.constant 0 : i32
    %c0_i32_1 = arith.constant 0 : i32
    return %c0_i32, %arg0, %c0_i32_0 : i32, i32, i32
  }
  func.func @transform_2(%arg0: i32) -> (i32, i32) {
    %c0_i32 = arith.constant 0 : i32
    %c0_i32_0 = arith.constant 0 : i32
    return %arg0, %c0_i32 : i32, i32
  }
  func.func @transform_3(%arg0: i32) -> (i32, i32) {
    %c0_i32 = arith.constant 0 : i32
    %c0_i32_0 = arith.constant 0 : i32
    return %arg0, %c0_i32 : i32, i32
  }
  func.func @transform_4(%arg0: i32) -> (i32, i32) {
    %c0_i32 = arith.constant 0 : i32
    %c0_i32_0 = arith.constant 0 : i32
    %c0_i32_1 = arith.constant 0 : i32
    return %c0_i32, %c0_i32_0 : i32, i32
  }
  func.func @transform_5(%arg0: i32) -> (i32, i32) {
    %c0_i32 = arith.constant 0 : i32
    %c0_i32_0 = arith.constant 0 : i32
    %c0_i32_1 = arith.constant 0 : i32
    return %c0_i32, %c0_i32_0 : i32, i32
  }
  func.func @transform_6(%arg0: i32) -> (i32, i32) {
    %c0_i32 = arith.constant 0 : i32
    %c0_i32_0 = arith.constant 0 : i32
    %c0_i32_1 = arith.constant 0 : i32
    return %c0_i32, %c0_i32_0 : i32, i32
  }
  func.func @transform_7(%arg0: i32) -> (i32, i32) {
    %c0_i32 = arith.constant 0 : i32
    %c0_i32_0 = arith.constant 0 : i32
    return %arg0, %c0_i32 : i32, i32
  }
}

module attributes {stable_mosaic.version = 14 : i64} {
  func.func @_tc_layer_body(%arg0: i32, %arg1: memref<2x2000x128xf32, #tpu.memory_space<vmem>>, %arg2: memref<2x2000x144xf32, #tpu.memory_space<vmem>>, %arg3: memref<2000x128xf32, #tpu.memory_space<vmem>>, %arg4: memref<2000x128xf32, #tpu.memory_space<vmem>>, %arg5: memref<128x128xf32, #tpu.memory_space<vmem>>, %arg6: memref<128x128xf32, #tpu.memory_space<vmem>>, %arg7: memref<1x128xf32, #tpu.memory_space<vmem>>, %arg8: memref<2000x128xf32, #tpu.memory_space<vmem>>) attributes {dimension_semantics = [#tpu.dimension_semantics<arbitrary>], iteration_bounds = array<i64: 5>, scalar_prefetch = 0 : i64, scratch_operands = 0 : i64, tpu.core_type = #tpu.core_type<tc>, window_params = [{transform_indices = @transform_0, window_bounds = array<i64: 2, 2000, 128>}, {transform_indices = @transform_1, window_bounds = array<i64: 2, 2000, 144>}, {transform_indices = @transform_2, window_bounds = array<i64: 2000, 128>}, {transform_indices = @transform_3, window_bounds = array<i64: 2000, 128>}, {pipeline_mode = #tpu.pipeline_mode<synchronous>, transform_indices = @transform_4, window_bounds = array<i64: 128, 128>}, {pipeline_mode = #tpu.pipeline_mode<synchronous>, transform_indices = @transform_5, window_bounds = array<i64: 128, 128>}, {pipeline_mode = #tpu.pipeline_mode<synchronous>, transform_indices = @transform_6, window_bounds = array<i64: 1, 128>}, {transform_indices = @transform_7, window_bounds = array<i64: 2000, 128>}]} {
    %get3A = arith.constant 0 : index
    %get3A_0 = arith.constant 0 : index
    %get3A_1 = arith.constant 0 : index
    %get3A_2 = vector.load %arg1[%get3A, %get3A_0, %get3A_1] : memref<2x2000x128xf32, #tpu.memory_space<vmem>>, vector<1x2000x128xf32>
    %get3A_3 = vector.shape_cast %get3A_2 : vector<1x2000x128xf32> to vector<2000x128xf32>
    %get3A_4 = arith.constant 1 : index
    %get3A_5 = arith.constant 0 : index
    %get3A_6 = arith.constant 0 : index
    %get3A_7 = vector.load %arg1[%get3A_4, %get3A_5, %get3A_6] : memref<2x2000x128xf32, #tpu.memory_space<vmem>>, vector<1x2000x128xf32>
    %get3A_8 = vector.shape_cast %get3A_7 : vector<1x2000x128xf32> to vector<2000x128xf32>
    %add3A = arith.addf %get3A_3, %get3A_8 : vector<2000x128xf32>
    %get3A_9 = arith.constant 0 : index
    %get3A_10 = arith.constant 0 : index
    %get3A_11 = arith.constant 0 : index
    %get3A_12 = vector.load %arg2[%get3A_9, %get3A_10, %get3A_11] : memref<2x2000x144xf32, #tpu.memory_space<vmem>>, vector<1x2000x144xf32>
    %get3A_13 = vector.shape_cast %get3A_12 : vector<1x2000x144xf32> to vector<2000x144xf32>
    %slice3A = vector.extract_strided_slice %get3A_13 {offsets = [0, 128], sizes = [2000, 1], strides = [1, 1]} : vector<2000x144xf32> to vector<2000x1xf32>
    %get3A_14 = arith.constant 1 : index
    %get3A_15 = arith.constant 0 : index
    %get3A_16 = arith.constant 0 : index
    %get3A_17 = vector.load %arg2[%get3A_14, %get3A_15, %get3A_16] : memref<2x2000x144xf32, #tpu.memory_space<vmem>>, vector<1x2000x144xf32>
    %get3A_18 = vector.shape_cast %get3A_17 : vector<1x2000x144xf32> to vector<2000x144xf32>
    %slice3A_19 = vector.extract_strided_slice %get3A_18 {offsets = [0, 128], sizes = [2000, 1], strides = [1, 1]} : vector<2000x144xf32> to vector<2000x1xf32>
    %add3A_20 = arith.addf %slice3A, %slice3A_19 : vector<2000x1xf32>
    %max3A = arith.constant 1.000000e+00 : f32
    %max3A_21 = vector.broadcast %max3A : f32 to vector<2000x1xf32>
    %max3A_22 = arith.maximumf %add3A_20, %max3A_21 : vector<2000x1xf32>
    %div3A = vector.broadcast %max3A_22 : vector<2000x1xf32> to vector<2000x128xf32>
    %div3A_23 = arith.divf %add3A, %div3A : vector<2000x128xf32>
    %get3A_24 = arith.constant 0 : index
    %get3A_25 = arith.constant 0 : index
    %get3A_26 = vector.load %arg3[%get3A_24, %get3A_25] : memref<2000x128xf32, #tpu.memory_space<vmem>>, vector<2000x128xf32>
    %get3A_27 = arith.constant 0 : index
    %get3A_28 = arith.constant 0 : index
    %get3A_29 = vector.load %arg5[%get3A_27, %get3A_28] : memref<128x128xf32, #tpu.memory_space<vmem>>, vector<128x128xf32>
    %dot_general3A = arith.constant dense<0.000000e+00> : vector<2000x128xf32>
    %dot_general3A_30 = tpu.matmul %div3A_23, %get3A_29, %dot_general3A {dimension_numbers = #tpu.dot_dimension_numbers<[1], [0], [0], [1], [0, 0, 1, 1], [], []>, transpose_lhs_hint = false} : vector<2000x128xf32>, vector<128x128xf32>, vector<2000x128xf32> -> vector<2000x128xf32>
    %get3A_31 = arith.constant 0 : index
    %get3A_32 = arith.constant 0 : index
    %get3A_33 = vector.load %arg7[%get3A_31, %get3A_32] : memref<1x128xf32, #tpu.memory_space<vmem>>, vector<1x128xf32>
    %add3A_34 = vector.broadcast %get3A_33 : vector<1x128xf32> to vector<2000x128xf32>
    %add3A_35 = arith.addf %dot_general3A_30, %add3A_34 : vector<2000x128xf32>
    %get3A_36 = arith.constant 0 : index
    %get3A_37 = arith.constant 0 : index
    %get3A_38 = vector.load %arg6[%get3A_36, %get3A_37] : memref<128x128xf32, #tpu.memory_space<vmem>>, vector<128x128xf32>
    %dot_general3A_39 = arith.constant dense<0.000000e+00> : vector<2000x128xf32>
    %dot_general3A_40 = tpu.matmul %get3A_26, %get3A_38, %dot_general3A_39 {dimension_numbers = #tpu.dot_dimension_numbers<[1], [0], [0], [1], [0, 0, 1, 1], [], []>, transpose_lhs_hint = false} : vector<2000x128xf32>, vector<128x128xf32>, vector<2000x128xf32> -> vector<2000x128xf32>
    %add3A_41 = arith.addf %add3A_35, %dot_general3A_40 : vector<2000x128xf32>
    %max3A_42 = arith.constant 0.000000e+00 : f32
    %max3A_43 = vector.broadcast %max3A_42 : f32 to vector<2000x128xf32>
    %max3A_44 = arith.maximumf %add3A_41, %max3A_43 : vector<2000x128xf32>
    %get3A_45 = arith.constant 0 : index
    %get3A_46 = arith.constant 0 : index
    %get3A_47 = vector.load %arg4[%get3A_45, %get3A_46] : memref<2000x128xf32, #tpu.memory_space<vmem>>, vector<2000x128xf32>
    %add3A_48 = arith.addf %max3A_44, %get3A_47 : vector<2000x128xf32>
    %swap3A = arith.constant 0 : index
    %swap3A_49 = arith.constant 0 : index
    %swap3A_50 = vector.load %arg8[%swap3A, %swap3A_49] : memref<2000x128xf32, #tpu.memory_space<vmem>>, vector<2000x128xf32>
    tpu.vector_store %arg8[%swap3A, %swap3A_49], %add3A_48 {strides = array<i32>} : memref<2000x128xf32, #tpu.memory_space<vmem>>, vector<2000x128xf32>,
    return
  }
  func.func @transform_0(%arg0: i32) -> (i32, i32, i32) {
    %c0_i32 = arith.constant 0 : i32
    %c0_i32_0 = arith.constant 0 : i32
    %c0_i32_1 = arith.constant 0 : i32
    return %c0_i32, %arg0, %c0_i32_0 : i32, i32, i32
  }
  func.func @transform_1(%arg0: i32) -> (i32, i32, i32) {
    %c0_i32 = arith.constant 0 : i32
    %c0_i32_0 = arith.constant 0 : i32
    %c0_i32_1 = arith.constant 0 : i32
    return %c0_i32, %arg0, %c0_i32_0 : i32, i32, i32
  }
  func.func @transform_2(%arg0: i32) -> (i32, i32) {
    %c0_i32 = arith.constant 0 : i32
    %c0_i32_0 = arith.constant 0 : i32
    return %arg0, %c0_i32 : i32, i32
  }
  func.func @transform_3(%arg0: i32) -> (i32, i32) {
    %c0_i32 = arith.constant 0 : i32
    %c0_i32_0 = arith.constant 0 : i32
    return %arg0, %c0_i32 : i32, i32
  }
  func.func @transform_4(%arg0: i32) -> (i32, i32) {
    %c0_i32 = arith.constant 0 : i32
    %c0_i32_0 = arith.constant 0 : i32
    %c0_i32_1 = arith.constant 0 : i32
    return %c0_i32, %c0_i32_0 : i32, i32
  }
  func.func @transform_5(%arg0: i32) -> (i32, i32) {
    %c0_i32 = arith.constant 0 : i32
    %c0_i32_0 = arith.constant 0 : i32
    %c0_i32_1 = arith.constant 0 : i32
    return %c0_i32, %c0_i32_0 : i32, i32
  }
  func.func @transform_6(%arg0: i32) -> (i32, i32) {
    %c0_i32 = arith.constant 0 : i32
    %c0_i32_0 = arith.constant 0 : i32
    %c0_i32_1 = arith.constant 0 : i32
    return %c0_i32, %c0_i32_0 : i32, i32
  }
  func.func @transform_7(%arg0: i32) -> (i32, i32) {
    %c0_i32 = arith.constant 0 : i32
    %c0_i32_0 = arith.constant 0 : i32
    return %arg0, %c0_i32 : i32, i32
  }
}

module attributes {stable_mosaic.version = 14 : i64} {
  func.func @_tc_layer_body(%arg0: i32, %arg1: memref<2x2000x128xf32, #tpu.memory_space<vmem>>, %arg2: memref<2x2000x144xf32, #tpu.memory_space<vmem>>, %arg3: memref<2000x128xf32, #tpu.memory_space<vmem>>, %arg4: memref<2000x128xf32, #tpu.memory_space<vmem>>, %arg5: memref<128x128xf32, #tpu.memory_space<vmem>>, %arg6: memref<128x128xf32, #tpu.memory_space<vmem>>, %arg7: memref<1x128xf32, #tpu.memory_space<vmem>>, %arg8: memref<2000x128xf32, #tpu.memory_space<vmem>>) attributes {dimension_semantics = [#tpu.dimension_semantics<arbitrary>], iteration_bounds = array<i64: 5>, scalar_prefetch = 0 : i64, scratch_operands = 0 : i64, tpu.core_type = #tpu.core_type<tc>, window_params = [{transform_indices = @transform_0, window_bounds = array<i64: 2, 2000, 128>}, {transform_indices = @transform_1, window_bounds = array<i64: 2, 2000, 144>}, {transform_indices = @transform_2, window_bounds = array<i64: 2000, 128>}, {transform_indices = @transform_3, window_bounds = array<i64: 2000, 128>}, {pipeline_mode = #tpu.pipeline_mode<synchronous>, transform_indices = @transform_4, window_bounds = array<i64: 128, 128>}, {pipeline_mode = #tpu.pipeline_mode<synchronous>, transform_indices = @transform_5, window_bounds = array<i64: 128, 128>}, {pipeline_mode = #tpu.pipeline_mode<synchronous>, transform_indices = @transform_6, window_bounds = array<i64: 1, 128>}, {transform_indices = @transform_7, window_bounds = array<i64: 2000, 128>}]} {
    %get3A = arith.constant 0 : index
    %get3A_0 = arith.constant 0 : index
    %get3A_1 = arith.constant 0 : index
    %get3A_2 = vector.load %arg1[%get3A, %get3A_0, %get3A_1] : memref<2x2000x128xf32, #tpu.memory_space<vmem>>, vector<1x2000x128xf32>
    %get3A_3 = vector.shape_cast %get3A_2 : vector<1x2000x128xf32> to vector<2000x128xf32>
    %get3A_4 = arith.constant 1 : index
    %get3A_5 = arith.constant 0 : index
    %get3A_6 = arith.constant 0 : index
    %get3A_7 = vector.load %arg1[%get3A_4, %get3A_5, %get3A_6] : memref<2x2000x128xf32, #tpu.memory_space<vmem>>, vector<1x2000x128xf32>
    %get3A_8 = vector.shape_cast %get3A_7 : vector<1x2000x128xf32> to vector<2000x128xf32>
    %add3A = arith.addf %get3A_3, %get3A_8 : vector<2000x128xf32>
    %get3A_9 = arith.constant 0 : index
    %get3A_10 = arith.constant 0 : index
    %get3A_11 = arith.constant 0 : index
    %get3A_12 = vector.load %arg2[%get3A_9, %get3A_10, %get3A_11] : memref<2x2000x144xf32, #tpu.memory_space<vmem>>, vector<1x2000x144xf32>
    %get3A_13 = vector.shape_cast %get3A_12 : vector<1x2000x144xf32> to vector<2000x144xf32>
    %slice3A = vector.extract_strided_slice %get3A_13 {offsets = [0, 128], sizes = [2000, 1], strides = [1, 1]} : vector<2000x144xf32> to vector<2000x1xf32>
    %get3A_14 = arith.constant 1 : index
    %get3A_15 = arith.constant 0 : index
    %get3A_16 = arith.constant 0 : index
    %get3A_17 = vector.load %arg2[%get3A_14, %get3A_15, %get3A_16] : memref<2x2000x144xf32, #tpu.memory_space<vmem>>, vector<1x2000x144xf32>
    %get3A_18 = vector.shape_cast %get3A_17 : vector<1x2000x144xf32> to vector<2000x144xf32>
    %slice3A_19 = vector.extract_strided_slice %get3A_18 {offsets = [0, 128], sizes = [2000, 1], strides = [1, 1]} : vector<2000x144xf32> to vector<2000x1xf32>
    %add3A_20 = arith.addf %slice3A, %slice3A_19 : vector<2000x1xf32>
    %max3A = arith.constant 1.000000e+00 : f32
    %max3A_21 = vector.broadcast %max3A : f32 to vector<2000x1xf32>
    %max3A_22 = arith.maximumf %add3A_20, %max3A_21 : vector<2000x1xf32>
    %div3A = vector.broadcast %max3A_22 : vector<2000x1xf32> to vector<2000x128xf32>
    %div3A_23 = arith.divf %add3A, %div3A : vector<2000x128xf32>
    %get3A_24 = arith.constant 0 : index
    %get3A_25 = arith.constant 0 : index
    %get3A_26 = vector.load %arg3[%get3A_24, %get3A_25] : memref<2000x128xf32, #tpu.memory_space<vmem>>, vector<2000x128xf32>
    %get3A_27 = arith.constant 0 : index
    %get3A_28 = arith.constant 0 : index
    %get3A_29 = vector.load %arg5[%get3A_27, %get3A_28] : memref<128x128xf32, #tpu.memory_space<vmem>>, vector<128x128xf32>
    %dot_general3A = arith.constant dense<0.000000e+00> : vector<2000x128xf32>
    %dot_general3A_30 = tpu.matmul %div3A_23, %get3A_29, %dot_general3A {dimension_numbers = #tpu.dot_dimension_numbers<[1], [0], [0], [1], [0, 0, 1, 1], [], []>, transpose_lhs_hint = false} : vector<2000x128xf32>, vector<128x128xf32>, vector<2000x128xf32> -> vector<2000x128xf32>
    %get3A_31 = arith.constant 0 : index
    %get3A_32 = arith.constant 0 : index
    %get3A_33 = vector.load %arg7[%get3A_31, %get3A_32] : memref<1x128xf32, #tpu.memory_space<vmem>>, vector<1x128xf32>
    %add3A_34 = vector.broadcast %get3A_33 : vector<1x128xf32> to vector<2000x128xf32>
    %add3A_35 = arith.addf %dot_general3A_30, %add3A_34 : vector<2000x128xf32>
    %get3A_36 = arith.constant 0 : index
    %get3A_37 = arith.constant 0 : index
    %get3A_38 = vector.load %arg6[%get3A_36, %get3A_37] : memref<128x128xf32, #tpu.memory_space<vmem>>, vector<128x128xf32>
    %dot_general3A_39 = arith.constant dense<0.000000e+00> : vector<2000x128xf32>
    %dot_general3A_40 = tpu.matmul %get3A_26, %get3A_38, %dot_general3A_39 {dimension_numbers = #tpu.dot_dimension_numbers<[1], [0], [0], [1], [0, 0, 1, 1], [], []>, transpose_lhs_hint = false} : vector<2000x128xf32>, vector<128x128xf32>, vector<2000x128xf32> -> vector<2000x128xf32>
    %add3A_41 = arith.addf %add3A_35, %dot_general3A_40 : vector<2000x128xf32>
    %mul3A = arith.mulf %add3A_41, %add3A_41 : vector<2000x128xf32>
    %reduce_sum3A = arith.constant dense<0.000000e+00> : vector<2000xf32>
    %reduce_sum3A_42 = vector.multi_reduction <add>, %mul3A, %reduce_sum3A [1] : vector<2000x128xf32> to vector<2000xf32>
    %broadcast_in_dim3A = vector.shape_cast %reduce_sum3A_42 : vector<2000xf32> to vector<2000x1xf32>
    %sqrt3A = math.sqrt %broadcast_in_dim3A : vector<2000x1xf32>
    %max3A_43 = arith.constant 9.99999996E-13 : f32
    %max3A_44 = vector.broadcast %max3A_43 : f32 to vector<2000x1xf32>
    %max3A_45 = arith.maximumf %sqrt3A, %max3A_44 : vector<2000x1xf32>
    %div3A_46 = vector.broadcast %max3A_45 : vector<2000x1xf32> to vector<2000x128xf32>
    %div3A_47 = arith.divf %add3A_41, %div3A_46 : vector<2000x128xf32>
    %swap3A = arith.constant 0 : index
    %swap3A_48 = arith.constant 0 : index
    %swap3A_49 = vector.load %arg8[%swap3A, %swap3A_48] : memref<2000x128xf32, #tpu.memory_space<vmem>>, vector<2000x128xf32>
    tpu.vector_store %arg8[%swap3A, %swap3A_48], %div3A_47 {strides = array<i32>} : memref<2000x128xf32, #tpu.memory_space<vmem>>, vector<2000x128xf32>,
    return
  }
  func.func @transform_0(%arg0: i32) -> (i32, i32, i32) {
    %c0_i32 = arith.constant 0 : i32
    %c0_i32_0 = arith.constant 0 : i32
    %c0_i32_1 = arith.constant 0 : i32
    return %c0_i32, %arg0, %c0_i32_0 : i32, i32, i32
  }
  func.func @transform_1(%arg0: i32) -> (i32, i32, i32) {
    %c0_i32 = arith.constant 0 : i32
    %c0_i32_0 = arith.constant 0 : i32
    %c0_i32_1 = arith.constant 0 : i32
    return %c0_i32, %arg0, %c0_i32_0 : i32, i32, i32
  }
  func.func @transform_2(%arg0: i32) -> (i32, i32) {
    %c0_i32 = arith.constant 0 : i32
    %c0_i32_0 = arith.constant 0 : i32
    return %arg0, %c0_i32 : i32, i32
  }
  func.func @transform_3(%arg0: i32) -> (i32, i32) {
    %c0_i32 = arith.constant 0 : i32
    %c0_i32_0 = arith.constant 0 : i32
    return %arg0, %c0_i32 : i32, i32
  }
  func.func @transform_4(%arg0: i32) -> (i32, i32) {
    %c0_i32 = arith.constant 0 : i32
    %c0_i32_0 = arith.constant 0 : i32
    %c0_i32_1 = arith.constant 0 : i32
    return %c0_i32, %c0_i32_0 : i32, i32
  }
  func.func @transform_5(%arg0: i32) -> (i32, i32) {
    %c0_i32 = arith.constant 0 : i32
    %c0_i32_0 = arith.constant 0 : i32
    %c0_i32_1 = arith.constant 0 : i32
    return %c0_i32, %c0_i32_0 : i32, i32
  }
  func.func @transform_6(%arg0: i32) -> (i32, i32) {
    %c0_i32 = arith.constant 0 : i32
    %c0_i32_0 = arith.constant 0 : i32
    %c0_i32_1 = arith.constant 0 : i32
    return %c0_i32, %c0_i32_0 : i32, i32
  }
  func.func @transform_7(%arg0: i32) -> (i32, i32) {
    %c0_i32 = arith.constant 0 : i32
    %c0_i32_0 = arith.constant 0 : i32
    return %arg0, %c0_i32 : i32, i32
  }
}

</mosaic_0001>

<sc_bundles>
// kernel: kernel.12.cloned.1.call-start
scs
__scs_entry_jumppad:
0x0: {  	(pc) =	sbr.rel $0x88, $3  }
0x1: {  	(tag) =	ssettag $0x0;
	lr =	simm.s32 $0x1  }
0x2: {  	[smem:$0x3F95] =	sst lr;
	_ =	strace $0xD0000000  }
0x3: {  	_ = 	snop  }
0x4: {  	_ = 	snop  }
0x5: {  	_ = 	snop  }
0x6: {  	_ = 	snop  }
0x7: {  	_ = 	snop  }
__scs_overlays_trampoline_lowered:
0x8: {  	[smem:$0x3FA4] =	sst s0  }
0x9: {  	[smem:$0x3FA5] =	sst s1  }
0xa: {  	[smem:$0x3FA6] =	sst s2  }
0xb: {  	[smem:$0x3FA7] =	sst s3  }
0xc: {  	[smem:$0x3FA8] =	sst s4  }
0xd: {  	[smem:$0x3FA9] =	sst s5  }
0xe: {  	[smem:$0x3FAA] =	sst s6  }
0xf: {  	[smem:$0x3FAB] =	sst s7  }
0x10: {  	[smem:$0x3FAC] =	sst s8  }
0x11: {  	[smem:$0x3FAD] =	sst s9;
	s0 =	simm.s32 @!p0 $0x0  }
0x12: {  	s1 =	sld [smem:$0x3F93];
	s0 =	simm.s32 @p0 $0x1  }
0x13: {  	[smem:$0x3FAE] =	sst s0;
	s0 =	simm.s32 @!p1 $0x0  }
0x14: {  	s2 =	sld [smem:$0x3F92];
	s0 =	simm.s32 @p1 $0x1  }
0x15: {  	[smem:$0x3FAF] =	sst s0;
	s0 =	simm.s32 @!p2 $0x0  }
0x16: {  	s3 =	sld [smem:$0x3FDB];
	s0 =	simm.s32 @p2 $0x1  }
0x17: {  	s4 =	simm.s32 $0x1BF5;
	[smem:$0x3FB1] =	sst s0  }
0x18: {  	s0 =	sld [smem:$0x3F94];
	_ =	swait.ge [sflag:s4], $0x0  }
0x19: {  	s7 =	sld [smem:$0x3F95]  }
0x1a: {  	s8 =	sadd.s32 $0xFFFFE003, lr  }
0x1b: {  	s9 =	sadd.s32 $0xFFFFFEF7, lr;
	s5 =	simm.s32 $0xFFFFFFFF;
	p2 =	slt.u32 s8, $0xFFFFF086  }
0x1c: {  	p1 =	slt.u32 s9, $0xF7A;
	s5 =	simm.s32 @!p2 $0x0  }
0x1d: {  	s5 =	simm.s32 @p1 $0x1;
	p0 =	seq.s32 s7, s2  }
0x1e: {  	s7 =	smul.u32 @!p0 $0xF7A, s2;
	p2 =	seq.s32 @!p0 s5, $0x0  }
0x1f: {  	s9 =	smul.u32 $0xF7A, s1;
	s8 =	simm.s32 @!p0 $0x1BF5;
	p2 =	por !p2, p0  }
0x20: {  	[sflag:s8] =	ssyncset.s32 @!p0 $0xFFFFF086;
	s6 =	sadd.s32 @!p0 s3, s7;
	s7 =	simm.s32 @!p0 $0x108  }
0x21: {  	s3 =	sadd.s32 s3, s9;
	s6 =	sadd.s32 @!p0 $0x88, s6;
	s7 =	simm.s32 @p2 $0x1082  }
0x22: {  	[simem:s7], [sflag:s8] =	dma.local @!p0 [hbm:s6], $0xF7A  }
0x23: {  	s9 =	sor.u32 $0xD0000000, s2;
	s6 =	simm.s32 $0x108;
	_ =	swait.ge @!p0 [sflag:s8], $0x0  }
0x24: {  	s3 =	sadd.s32 $0x88, s3;
	s6 =	simm.s32 @!p1 $0x1082;
	[sflag:s4] =	ssyncset.s32 $0xFFFFF086  }
0x25: {  	[simem:s6], [sflag:s4] =	dma.local [hbm:s3], $0xF7A  }
0x26: {  	[smem:$0x3F95] =	sst s1;
	(tag) =	ssettag s2;
	_ =	strace s9  }
0x27: {  	s1 =	sld [smem:$0x3FA5]  }
0x28: {  	s2 =	sld [smem:$0x3FA6]  }
0x29: {  	s4 =	sld [smem:$0x3FA8]  }
0x2a: {  	p0 =	seq.s32 s5, $0x0;
	s5 =	sld [smem:$0x3FA9]  }
0x2b: {  	s6 =	sld [smem:$0x3FAA]  }
0x2c: {  	s7 =	sld [smem:$0x3FAB]  }
0x2d: {  	s3 =	simm.s32 $0x108;
	s8 =	sld [smem:$0x3FAC]  }
0x2e: {  	s3 =	simm.s32 @!p0 $0x1082;
	s9 =	sld [smem:$0x3FAD]  }
0x2f: {  	lr =	sadd.s32 s0, s3;
	s0 =	sld [smem:$0x3FA4]  }
0x30: {  	s3 =	sld [smem:$0x3FA7]  }
0x31: {  	[smem:$0x3FB0] =	sst s10  }
0x32: {  	s10 =	sld [smem:$0x3FAE];
	_ =	sdelay $0x3  }
0x33: {  	p0 =	seq.s32 s10, $0x1;
	s10 =	sld [smem:$0x3FB0];
	_ =	sdelay $0x3  }
0x34: {  	[smem:$0x3FB0] =	sst s10  }
0x35: {  	s10 =	sld [smem:$0x3FAF];
	_ =	sdelay $0x3  }
0x36: {  	p1 =	seq.s32 s10, $0x1;
	s10 =	sld [smem:$0x3FB0];
	_ =	sdelay $0x3  }
0x37: {  	[smem:$0x3FB0] =	sst s10  }
0x38: {  	s10 =	sld [smem:$0x3FB1]  }
0x39: {  	_ = 	snop;
	(pc) =	sbr.ind lr, $3  }
0x3a: {  	_ = 	snop  }
0x3b: {  	_ = 	snop  }
0x3c: {  	p2 =	seq.s32 s10, $0x1;
	s10 =	sld [smem:$0x3FB0]  }
0x3d: {  	_ =	shalt  }
0x3e: {  	_ =	shalt  }
0x3f: {  	_ =	shalt  }
0x40: {  	_ =	shalt  }
0x41: {  	_ =	shalt  }
0x42: {  	_ =	shalt  }
0x43: {  	_ =	shalt  }
0x44: {  	_ =	shalt  }
0x45: {  	_ =	shalt  }
0x46: {  	_ =	shalt  }
0x47: {  	_ =	shalt  }
0x48: {  	_ =	shalt  }
0x49: {  	_ =	shalt  }
0x4a: {  	_ =	shalt  }
0x4b: {  	_ =	shalt  }
0x4c: {  	_ =	shalt  }
0x4d: {  	_ =	shalt  }
0x4e: {  	_ =	shalt  }
0x4f: {  	_ =	shalt  }
0x50: {  	_ =	shalt  }
0x51: {  	_ =	shalt  }
0x52: {  	_ =	shalt  }
0x53: {  	_ =	shalt  }
0x54: {  	_ =	shalt  }
0x55: {  	_ =	shalt  }
0x56: {  	_ =	shalt  }
0x57: {  	_ =	shalt  }
0x58: {  	_ =	shalt  }
0x59: {  	_ =	shalt  }
0x5a: {  	_ =	shalt  }
0x5b: {  	_ =	shalt  }
0x5c: {  	_ =	shalt  }
0x5d: {  	_ =	shalt  }
0x5e: {  	_ =	shalt  }
0x5f: {  	_ =	shalt  }
0x60: {  	_ =	shalt  }
0x61: {  	_ =	shalt  }
0x62: {  	_ =	shalt  }
0x63: {  	_ =	shalt  }
0x64: {  	_ =	shalt  }
0x65: {  	_ =	shalt  }
0x66: {  	_ =	shalt  }
0x67: {  	_ =	shalt  }
0x68: {  	_ =	shalt  }
0x69: {  	_ =	shalt  }
0x6a: {  	_ =	shalt  }
0x6b: {  	_ =	shalt  }
0x6c: {  	_ =	shalt  }
0x6d: {  	_ =	shalt  }
0x6e: {  	_ =	shalt  }
0x6f: {  	_ =	shalt  }
0x70: {  	_ =	shalt  }
0x71: {  	_ =	shalt  }
0x72: {  	_ =	shalt  }
0x73: {  	_ =	shalt  }
0x74: {  	_ =	shalt  }
0x75: {  	_ =	shalt  }
0x76: {  	_ =	shalt  }
0x77: {  	_ =	shalt  }
0x78: {  	_ =	shalt  }
0x79: {  	_ =	shalt  }
0x7a: {  	_ =	shalt  }
0x7b: {  	_ =	shalt  }
0x7c: {  	_ =	shalt  }
0x7d: {  	_ =	shalt  }
0x7e: {  	_ =	shalt  }
0x7f: {  	_ =	shalt  }
0x80: {  	_ =	shalt  }
0x81: {  	_ =	shalt  }
0x82: {  	_ =	shalt  }
0x83: {  	_ =	shalt  }
0x84: {  	_ =	shalt  }
0x85: {  	_ =	shalt  }
0x86: {  	_ =	shalt  }
0x87: {  	_ =	shalt  }
.Lfunc_end0:
.L_simem_size_0:
called_computation.1_lowered:
.L_overlay_start_0:
0x88: {  	s2 =	sld [smem:$0x3FD9]  }
0x89: {  	s3 =	sld [smem:$0x3FFE];
	_ =	sdelay $0x1  }
0x8a: {  	s1 =	srdreg.scid  }
0x8b: {  	s0 =	sand.u32 $0x1, s1  }
0x8c: {  	s17 =	sshll.u32 s0, $0xA;
	s2 =	sadd.s32 s3, s2  }
0x8d: {  	s2 =	sadd.s32 s2, s17  }
0x8e: {  	[smem:$0x3FBC] =	sst s2  }
0x8f: {  	_ = 	snop  }
0x90: {  	s2 =	sld [smem:$0x3FD0];
	(tm) =	ssettm $0x1  }
0x91: {  	s18 =	sld [smem:$0x3FFB];
	_ =	sdelay $0x3  }
0x92: {  	_ =	strace s18  }
0x93: {  	s3 =	sld [smem:$0x3FFC];
	_ =	sdelay $0x3  }
0x94: {  	_ =	strace s3  }
0x95: {  	s3 =	sld [smem:$0x3FFD];
	_ =	sdelay $0x3  }
0x96: {  	_ =	strace s3  }
0x97: {  	_ =	strace $0x8FFFFFFF  }
0x98: {  	s19 =	sld [smem:$0x3FDB];
	_ =	sdelay $0x1  }
0x99: {  	s4 =	simm.s32 $_scs_section_size  }
0x9a: {  	s5 =	simm.s32 $_size__tile_overlayer_lowered;
	s6 =	simm.s32 $_tile_overlayer_lowered  }
0x9b: {  	s22 =	simm.s32 $0x1BFF;
	s21 =	sshll.u32 s6, $0x1;
	s3 =	sadd.s32 s4, s19  }
0x9c: {  	s7 =	simm.s32 $0x0;
	s20 =	sshll.u32 s5, $0x1;
	s5 =	sadd.s32 s21, s3  }
0x9d: {  	[timem:s7], [sflag:s22] =	dma.local [hbm:s5], s20  }
0x9e: {  	_ =	swait.ge [sflag:s22], s20  }
0x9f: {  	s4 =	ssub.s32 $0x0, s20;
	[sflag:s22] =	ssyncset.done $0x0  }
0xa0: {  	[sflag:s22] =	ssyncadd.s32 s4;
	_ =	sdelay $0x1  }
0xa1: {  	s23 =	simm.s32 $0x1B8B  }
0xa2: {  	_ =	swait.ge [sflag:s23], $0x1  }
0xa3: {  	[sflag:s23] =	ssyncset.done $0x0  }
0xa4: {  	s25 =	simm.s32 $0x1B8E;
	s24 =	sld [smem:$0x3FFE];
	[sflag:s23] =	ssyncadd.s32 $0xFFFFFFFF  }
0xa5: {  	s26 =	simm.s32 $execute0_lowered;
	[smem:$0x3FD2] =	sst s25  }
0xa6: {  	s5 =	sshll.u32 s26, $0x1;
	_ =	strace $0x80000049;
	[dreg:$0x1] =	wrdreg $0xFFFFFFFF  }
0xa7: {  	s28 =	simm.s32 $_size_execute0_lowered;
	s3 =	sadd.s32 s3, s5;
	[dreg:$0x0] =	wrdreg $0x0  }
0xa8: {  	s5 =	sshll.u32 s28, $0x1;
	[dreg:$0x2] =	wrdreg s3  }
0xa9: {  	[dreg:$0x3] =	wrdreg s5  }
0xaa: {  	[dreg:$0x4] =	wrdreg $0xC0  }
0xab: {  	_ =	task [dreg:s7], $0x5FFFF  }
0xac: {  	[dreg:$0x1] =	wrdreg $0xFFFFFFFF  }
0xad: {  	[dreg:$0x0] =	wrdreg $0x60  }
0xae: {  	[dreg:$0x2] =	wrdreg s2  }
0xaf: {  	[dreg:$0x3] =	wrdreg s24  }
0xb0: {  	[dreg:$0x4] =	wrdreg $0x69000  }
0xb1: {  	[dreg:$0x5] =	wrdreg $0x9  }
0xb2: {  	_ =	task.clear_ibuf [dreg:s7], $0x6FFFF;
	_ =	strace $0x90000049  }
0xb3: {  	s29 =	simm.s32 $0x9;
	_ =	strace $0x8000004B  }
0xb4: {  	_ =	swait.ge [sflag:s29], $0x1  }
0xb5: {  	[sflag:s29] =	ssyncadd.s32 $0xFFFFFFFF  }
0xb6: {  	_ =	strace $0x9000004B  }
0xb7: {  	_ =	sfence  }
0xb8: {  	s30 =	sld [smem:$0x0];
	_ =	sdelay $0x2  }
0xb9: {  	s31 =	sshll.u32 s1, $0xD;
	s1 =	sshrl.u32 s1, $0x2  }
0xba: {  	s3 =	sand.u32 $0x4000, s31;
	s1 =	sadd.s32 s1, s30  }
0xbb: {  	s0 =	sor.u32 s3, s0;
	s1 =	sshll.u32 s1, $0x11  }
0xbc: {  	s0 =	sor.u32 s1, s0  }
0xbd: {  	s0 =	sadd.s32 $0x8F2B, s0  }
0xbe: {  	[sflag:s0] =	ssyncadd.remote.s32 $0x1  }
0xbf: {  	_ =	sfence.sel $0xFFFF  }
0xc0: {  	[dreg:$0x0] =	wrdreg $0xFFFFFFFF;
	(pc) =	sbr.abs _section_cstart, $3  }
0xc1: {  	[dreg:$0x1] =	wrdreg $0xFFFFFFFF  }
0xc2: {  	_ =	task.clear_ibuf [dreg:s7], $0x2FFFF;
	_ =	strace $0x9FFFFFFF  }
0xc3: {  	(tm) =	ssettm $0x7FFFFFFF  }
tec
execute0_lowered:
.L_overlay_start_1:
0x0: {  	(tag) =	ssettag $0x1  }
0x1: {  	s1 =	rddreg [dreg:$0x0]  }
0x2: {  	s0 =	rddreg [dreg:$0x1]  }
0x3: {  	s3 =	rddreg [dreg:$0x2];
	s4 =	simm.s32 $0x0;
	s2 =	stileid.u32  }
0x4: {  	s5 =	srdreg.scid;
	[smem:$0x7FF] =	sst s4  }
0x5: {  	s6 =	sshll.u32 s2, $0xB;
	s7 =	sand.u32 $0x1, s5;
	s13 =	smul.u32 $0x280, s2  }
0x6: {  	s5 =	sadd.s32 $0x3400, s0;
	s22 =	smul.u32 $0x50000, s2;
	s6 =	sadd.s32 s6, s0  }
0x7: {  	s8 =	smul.u32 $0x28000, s7;
	s9 =	ssub.s32 $0x2, s7;
	s7 =	sshll.u32 s7, $0xF  }
0x8: {  	_ =	strace $0x8000004A;
	s10 =	sshrl.u32 s9, $0x1;
	s6 =	sadd.s32 s7, s6  }
0x9: {  	s7 =	sshrl.u32 s22, $0x2;
	s16 =	sor.u32 $0x50, s13;
	s17 =	sadd.s32 $0xA0, s13  }
0xa: {  	s18 =	sadd.s32 $0xF0, s13;
	s19 =	sadd.s32 $0x140, s13;
	s20 =	sadd.s32 $0x190, s13  }
0xb: {  	s21 =	sadd.s32 $0x1E0, s13;
	s22 =	sadd.s32 $0x230, s13;
	s0 =	sadd.s32 s8, s0  }
0xc: {  	s23 =	ssub.s32 s9, s10;
	s6 =	sadd.s32 $0x89A00, s6;
	s7 =	sadd.s32 s7, s3  }
0xd: {  	s24 =	sshll.u32 s16, $0x7;
	s25 =	sshll.u32 s17, $0x7;
	s11 =	sshll.u32 s18, $0x7  }
0xe: {  	s12 =	sshll.u32 s19, $0x7;
	s14 =	sshll.u32 s20, $0x7;
	s15 =	sshll.u32 s21, $0x7  }
0xf: {  	s26 =	sshll.u32 s22, $0x7;
	s28 =	sshll.u32 s19, $0x4;
	s29 =	sshll.u32 s20, $0x4  }
0x10: {  	s30 =	sshll.u32 s21, $0x4;
	s31 =	sshll.u32 s22, $0x4;
	s0 =	sadd.s32 $0x3A00, s0  }
0x11: {  	s8 =	smax.u32 s23, $0x1;
	s9 =	sadd.s32 s24, s3;
	s10 =	sadd.s32 s25, s3  }
0x12: {  	s11 =	sadd.s32 s11, s3;
	s12 =	sadd.s32 s12, s3;
	s13 =	sadd.s32 s14, s3  }
0x13: {  	s14 =	sadd.s32 s15, s3;
	s15 =	sadd.s32 s26, s3;
	s23 =	smul.u32 $0x2800, s2  }
0x14: {  	s24 =	sshll.u32 s16, $0x4;
	s25 =	sshll.u32 s17, $0x4;
	s26 =	sshll.u32 s18, $0x4  }
0x15: {  	s16 =	simm.s32 $0x2;
	s18 =	sadd.s32 s24, s0;
	s19 =	sadd.s32 s25, s0  }
0x16: {  	s20 =	sadd.s32 s26, s0;
	s21 =	sadd.s32 s28, s0;
	s22 =	sadd.s32 s29, s0  }
0x17: {  	s24 =	sadd.s32 s31, s0;
	s25 =	simm.s32 $0x4100;
	s26 =	simm.s32 $0x50  }
0x18: {  	s28 =	simm.s32 $0x4000;
	s29 =	simm.s32 $0x1;
	s31 =	simm.s32 $0x0  }
0x19: {  	s17 =	sadd.s32 s23, s0;
	s23 =	sadd.s32 s30, s0;
	s30 =	simm.s32 $0x4080  }
.LBB2_1:
0x1a: {  	[tilespmem:s4], [sflag:$0x2] =	stream.linear.gather [hbm4b:s6+s4], $0x3E80, $0x38;
	[tilespmem:$0x1A900] =	vst v63  }
0x1b: {  	_ =	swait.ge [sflag:s16], $0x3E80  }
0x1c: {  	[sflag:s16] =	ssyncset.done $0x0  }
0x1d: {  	[sflag:s16] =	ssyncadd.s32 $0xFFFFC180  }
0x1e: {  	[tilespmem:s25], [sflag:$0x2] =	stream.linear.gather [hbm4b:s5+s4], $0x2800, $0x38;
	[tilespmem:$0x1A900] =	vst v63  }
0x1f: {  	_ =	swait.ge [sflag:s16], $0x2800  }
0x20: {  	[sflag:s16] =	ssyncset.done $0x0  }
0x21: {  	[sflag:s16] =	ssyncadd.s32 $0xFFFFD800  }
0x22: {  	[spmem:s7] =	stream.linear.scatter [tilespmem:s25], [sflag:$0x2], $0x2800, $0x38;
	[tilespmem:$0x1A900] =	vst v63  }
0x23: {  	_ =	swait.ge [sflag:s16], $0x2800  }
0x24: {  	[sflag:s16] =	ssyncset.done $0x0  }
0x25: {  	[sflag:s16] =	ssyncadd.s32 $0xFFFFD800  }
0x26: {  	[spmem:s9] =	stream.linear.scatter [tilespmem:s25], [sflag:$0x2], $0x2800, $0x38;
	[tilespmem:$0x1A900] =	vst v63  }
0x27: {  	_ =	swait.ge [sflag:s16], $0x2800  }
0x28: {  	[sflag:s16] =	ssyncset.done $0x0  }
0x29: {  	[sflag:s16] =	ssyncadd.s32 $0xFFFFD800  }
0x2a: {  	[spmem:s10] =	stream.linear.scatter [tilespmem:s25], [sflag:$0x2], $0x2800, $0x38;
	[tilespmem:$0x1A900] =	vst v63  }
0x2b: {  	_ =	swait.ge [sflag:s16], $0x2800  }
0x2c: {  	[sflag:s16] =	ssyncset.done $0x0  }
0x2d: {  	[sflag:s16] =	ssyncadd.s32 $0xFFFFD800  }
0x2e: {  	[spmem:s11] =	stream.linear.scatter [tilespmem:s25], [sflag:$0x2], $0x2800, $0x38;
	[tilespmem:$0x1A900] =	vst v63  }
0x2f: {  	_ =	swait.ge [sflag:s16], $0x2800  }
0x30: {  	[sflag:s16] =	ssyncset.done $0x0  }
0x31: {  	[sflag:s16] =	ssyncadd.s32 $0xFFFFD800  }
0x32: {  	[spmem:s12] =	stream.linear.scatter [tilespmem:s25], [sflag:$0x2], $0x2800, $0x38;
	[tilespmem:$0x1A900] =	vst v63  }
0x33: {  	_ =	swait.ge [sflag:s16], $0x2800  }
0x34: {  	[sflag:s16] =	ssyncset.done $0x0  }
0x35: {  	[sflag:s16] =	ssyncadd.s32 $0xFFFFD800  }
0x36: {  	[spmem:s13] =	stream.linear.scatter [tilespmem:s25], [sflag:$0x2], $0x2800, $0x38;
	[tilespmem:$0x1A900] =	vst v63  }
0x37: {  	_ =	swait.ge [sflag:s16], $0x2800  }
0x38: {  	[sflag:s16] =	ssyncset.done $0x0  }
0x39: {  	[sflag:s16] =	ssyncadd.s32 $0xFFFFD800  }
0x3a: {  	[spmem:s14] =	stream.linear.scatter [tilespmem:s25], [sflag:$0x2], $0x2800, $0x38;
	[tilespmem:$0x1A900] =	vst v63  }
0x3b: {  	_ =	swait.ge [sflag:s16], $0x2800  }
0x3c: {  	[sflag:s16] =	ssyncset.done $0x0  }
0x3d: {  	[sflag:s16] =	ssyncadd.s32 $0xFFFFD800  }
0x3e: {  	[spmem:s15] =	stream.linear.scatter [tilespmem:s25], [sflag:$0x2], $0x2800, $0x38;
	[tilespmem:$0x1A900] =	vst v63  }
0x3f: {  	_ =	swait.ge [sflag:s16], $0x2800  }
0x40: {  	[sflag:s16] =	ssyncset.done $0x0  }
0x41: {  	[sflag:s16] =	ssyncadd.s32 $0xFFFFD800  }
0x42: {  	s0 =	simm.s32 $0x0;
	[bflag:$0x0] =	sbarrier.arrive $0xFFFF  }
0x43: {  	v0 =	vld [tilespmem:s0+$0x0];
	_ =	sdelay $0x4  }
0x44: {  	v1 =	vshrl.u32 v0, $0xE  }
0x45: {  	v0 =	vand.u32 $0x3FFF, v0;
	[tilespmem:$0x4000] =	vst v1  }
0x46: {  	[tilespmem:$0x4080] =	vst v0  }
0x47: {  	v0 =	vld [tilespmem:s0+$0x10];
	_ =	sdelay $0x4  }
0x48: {  	v60 =	vshrl.u32 v0, $0xE  }
0x49: {  	v0 =	vand.u32 $0x3FFF, v0;
	[tilespmem:$0x4010] =	vst v60  }
0x4a: {  	[tilespmem:$0x4090] =	vst v0  }
0x4b: {  	v0 =	vld [tilespmem:s0+$0x20];
	_ =	sdelay $0x4  }
0x4c: {  	v61 =	vshrl.u32 v0, $0xE  }
0x4d: {  	v0 =	vand.u32 $0x3FFF, v0;
	[tilespmem:$0x4020] =	vst v61  }
0x4e: {  	[tilespmem:$0x40A0] =	vst v0  }
0x4f: {  	v0 =	vld [tilespmem:s0+$0x30];
	_ =	sdelay $0x4  }
0x50: {  	v62 =	vshrl.u32 v0, $0xE  }
0x51: {  	v0 =	vand.u32 $0x3FFF, v0;
	[tilespmem:$0x4030] =	vst v62  }
0x52: {  	[tilespmem:$0x40B0] =	vst v0  }
0x53: {  	v0 =	vld [tilespmem:s0+$0x40];
	_ =	sdelay $0x4  }
0x54: {  	v63 =	vshrl.u32 v0, $0xE  }
0x55: {  	v0 =	vand.u32 $0x3FFF, v0;
	[tilespmem:$0x4040] =	vst v63  }
0x56: {  	[tilespmem:$0x40C0] =	vst v0  }
0x57: {  	[tilespmem:s25], [sflag:$0x1] =	stream.indirect.gather [hbm4b:s1+s26], $0x80, s28, s26, $0xb8;
	[tilespmem:$0x1A900] =	vst v63  }
0x58: {  	s0 =	simm.s32 $0x200;
	_ =	swait.ge [sflag:s29], $0x2800  }
.LBB2_2:
0x59: {  	p0 =	sne.s32 s0, $0xF800  }
0x5a: {  	[sflag:s29] =	ssyncset.done $0x0;
	s2 =	smov.u32 s0;
	s0 =	sadd.s32 $0x200, s0  }
0x5b: {  	[sflag:s29] =	ssyncadd.s32 $0xFFFFD800  }
0x5c: {  	[spmem:s3] =	stream.indirect.scatter.add.f32 [tilespmem:s25], [sflag:$0x2], $0x80, s30, s26, $0xb8;
	[tilespmem:$0x1A900] =	vst v63  }
0x5d: {  	_ =	swait.ge [sflag:s16], $0x2800  }
0x5e: {  	[sflag:s16] =	ssyncset.done $0x0  }
0x5f: {  	s2 =	sshra.s32 s2, $0x2;
	[sflag:s16] =	ssyncadd.s32 $0xFFFFD800  }
0x60: {  	v0 =	vld [tilespmem:s2+$0x0];
	_ =	sdelay $0x4  }
0x61: {  	v1 =	vshrl.u32 v0, $0xE;
	v0 =	vand.u32 $0x3FFF, v0  }
0x62: {  	[tilespmem:$0x4000] =	vst v1  }
0x63: {  	[tilespmem:$0x4080] =	vst v0  }
0x64: {  	v0 =	vld [tilespmem:s2+$0x10];
	_ =	sdelay $0x4  }
0x65: {  	v1 =	vshrl.u32 v0, $0xE;
	v0 =	vand.u32 $0x3FFF, v0  }
0x66: {  	[tilespmem:$0x4010] =	vst v1  }
0x67: {  	[tilespmem:$0x4090] =	vst v0  }
0x68: {  	v0 =	vld [tilespmem:s2+$0x20];
	_ =	sdelay $0x4  }
0x69: {  	v1 =	vshrl.u32 v0, $0xE;
	v0 =	vand.u32 $0x3FFF, v0  }
0x6a: {  	[tilespmem:$0x4020] =	vst v1  }
0x6b: {  	[tilespmem:$0x40A0] =	vst v0  }
0x6c: {  	v0 =	vld [tilespmem:s2+$0x30];
	_ =	sdelay $0x4  }
0x6d: {  	v1 =	vshrl.u32 v0, $0xE;
	v0 =	vand.u32 $0x3FFF, v0  }
0x6e: {  	[tilespmem:$0x4030] =	vst v1  }
0x6f: {  	[tilespmem:$0x40B0] =	vst v0  }
0x70: {  	v0 =	vld [tilespmem:s2+$0x40];
	_ =	sdelay $0x4  }
.Ltmp0:
0x71: {  	v1 =	vshrl.u32 v0, $0xE;
	v0 =	vand.u32 $0x3FFF, v0;
	(pc) =	sbr.rel @p0 .LBB2_2-.Ltmp0, $4  }
0x72: {  	[tilespmem:$0x4040] =	vst v1  }
0x73: {  	[tilespmem:$0x40C0] =	vst v0  }
0x74: {  	[tilespmem:s25], [sflag:$0x1] =	stream.indirect.gather [hbm4b:s1+s26], $0x80, s28, s26, $0xb8;
	[tilespmem:$0x1A900] =	vst v63  }
0x75: {  	_ =	swait.ge [sflag:s29], $0x2800  }
0x76: {  	[sflag:s29] =	ssyncset.done $0x0  }
0x77: {  	[sflag:s29] =	ssyncadd.s32 $0xFFFFD800  }
0x78: {  	[spmem:s3] =	stream.indirect.scatter.add.f32 [tilespmem:s25], [sflag:$0x2], $0x80, s30, s26, $0xb8;
	[tilespmem:$0x1A900] =	vst v63  }
0x79: {  	_ =	swait.ge [sflag:s16], $0x2800  }
0x7a: {  	[sflag:s16] =	ssyncset.done $0x0  }
0x7b: {  	[sflag:s16] =	ssyncadd.s32 $0xFFFFD800  }
0x7c: {  	[bflag:$0x0] =	sbarrier.arrive $0xFFFF  }
0x7d: {  	[tilespmem:s25], [sflag:$0x2] =	stream.linear.gather [spmem:s7], $0x2800, $0x38;
	[tilespmem:$0x1A900] =	vst v63  }
0x7e: {  	_ =	swait.ge [sflag:s16], $0x2800  }
0x7f: {  	[sflag:s16] =	ssyncset.done $0x0  }
0x80: {  	[sflag:s16] =	ssyncadd.s32 $0xFFFFD800  }
0x81: {  	[hbm4b:s17+s4] =	stream.linear.scatter [tilespmem:s25], [sflag:$0x2], $0x2800, $0x38;
	[tilespmem:$0x1A900] =	vst v63  }
0x82: {  	_ =	swait.ge [sflag:s16], $0x2800  }
0x83: {  	[sflag:s16] =	ssyncset.done $0x0  }
0x84: {  	[sflag:s16] =	ssyncadd.s32 $0xFFFFD800  }
0x85: {  	[tilespmem:s25], [sflag:$0x2] =	stream.linear.gather [spmem:s9], $0x2800, $0x38;
	[tilespmem:$0x1A900] =	vst v63  }
0x86: {  	_ =	swait.ge [sflag:s16], $0x2800  }
0x87: {  	[sflag:s16] =	ssyncset.done $0x0  }
0x88: {  	[sflag:s16] =	ssyncadd.s32 $0xFFFFD800  }
0x89: {  	[hbm4b:s18+s4] =	stream.linear.scatter [tilespmem:s25], [sflag:$0x2], $0x2800, $0x38;
	[tilespmem:$0x1A900] =	vst v63  }
0x8a: {  	_ =	swait.ge [sflag:s16], $0x2800  }
0x8b: {  	[sflag:s16] =	ssyncset.done $0x0  }
0x8c: {  	[sflag:s16] =	ssyncadd.s32 $0xFFFFD800  }
0x8d: {  	[tilespmem:s25], [sflag:$0x2] =	stream.linear.gather [spmem:s10], $0x2800, $0x38;
	[tilespmem:$0x1A900] =	vst v63  }
0x8e: {  	_ =	swait.ge [sflag:s16], $0x2800  }
0x8f: {  	[sflag:s16] =	ssyncset.done $0x0  }
0x90: {  	[sflag:s16] =	ssyncadd.s32 $0xFFFFD800  }
0x91: {  	[hbm4b:s19+s4] =	stream.linear.scatter [tilespmem:s25], [sflag:$0x2], $0x2800, $0x38;
	[tilespmem:$0x1A900] =	vst v63  }
0x92: {  	_ =	swait.ge [sflag:s16], $0x2800  }
0x93: {  	[sflag:s16] =	ssyncset.done $0x0  }
0x94: {  	[sflag:s16] =	ssyncadd.s32 $0xFFFFD800  }
0x95: {  	[tilespmem:s25], [sflag:$0x2] =	stream.linear.gather [spmem:s11], $0x2800, $0x38;
	[tilespmem:$0x1A900] =	vst v63  }
0x96: {  	_ =	swait.ge [sflag:s16], $0x2800  }
0x97: {  	[sflag:s16] =	ssyncset.done $0x0  }
0x98: {  	[sflag:s16] =	ssyncadd.s32 $0xFFFFD800  }
0x99: {  	[hbm4b:s20+s4] =	stream.linear.scatter [tilespmem:s25], [sflag:$0x2], $0x2800, $0x38;
	[tilespmem:$0x1A900] =	vst v63  }
0x9a: {  	_ =	swait.ge [sflag:s16], $0x2800  }
0x9b: {  	[sflag:s16] =	ssyncset.done $0x0  }
0x9c: {  	[sflag:s16] =	ssyncadd.s32 $0xFFFFD800  }
0x9d: {  	[tilespmem:s25], [sflag:$0x2] =	stream.linear.gather [spmem:s12], $0x2800, $0x38;
	[tilespmem:$0x1A900] =	vst v63  }
0x9e: {  	_ =	swait.ge [sflag:s16], $0x2800  }
0x9f: {  	[sflag:s16] =	ssyncset.done $0x0  }
0xa0: {  	[sflag:s16] =	ssyncadd.s32 $0xFFFFD800  }
0xa1: {  	[hbm4b:s21+s4] =	stream.linear.scatter [tilespmem:s25], [sflag:$0x2], $0x2800, $0x38;
	[tilespmem:$0x1A900] =	vst v63  }
0xa2: {  	_ =	swait.ge [sflag:s16], $0x2800  }
0xa3: {  	[sflag:s16] =	ssyncset.done $0x0  }
0xa4: {  	[sflag:s16] =	ssyncadd.s32 $0xFFFFD800  }
0xa5: {  	[tilespmem:s25], [sflag:$0x2] =	stream.linear.gather [spmem:s13], $0x2800, $0x38;
	[tilespmem:$0x1A900] =	vst v63  }
0xa6: {  	_ =	swait.ge [sflag:s16], $0x2800  }
0xa7: {  	[sflag:s16] =	ssyncset.done $0x0  }
0xa8: {  	[sflag:s16] =	ssyncadd.s32 $0xFFFFD800  }
0xa9: {  	[hbm4b:s22+s4] =	stream.linear.scatter [tilespmem:s25], [sflag:$0x2], $0x2800, $0x38;
	[tilespmem:$0x1A900] =	vst v63  }
0xaa: {  	_ =	swait.ge [sflag:s16], $0x2800  }
0xab: {  	[sflag:s16] =	ssyncset.done $0x0  }
0xac: {  	[sflag:s16] =	ssyncadd.s32 $0xFFFFD800  }
0xad: {  	[tilespmem:s25], [sflag:$0x2] =	stream.linear.gather [spmem:s14], $0x2800, $0x38;
	[tilespmem:$0x1A900] =	vst v63  }
0xae: {  	_ =	swait.ge [sflag:s16], $0x2800  }
0xaf: {  	[sflag:s16] =	ssyncset.done $0x0  }
0xb0: {  	[sflag:s16] =	ssyncadd.s32 $0xFFFFD800  }
0xb1: {  	[hbm4b:s23+s4] =	stream.linear.scatter [tilespmem:s25], [sflag:$0x2], $0x2800, $0x38;
	[tilespmem:$0x1A900] =	vst v63  }
0xb2: {  	_ =	swait.ge [sflag:s16], $0x2800  }
0xb3: {  	[sflag:s16] =	ssyncset.done $0x0  }
0xb4: {  	[sflag:s16] =	ssyncadd.s32 $0xFFFFD800  }
0xb5: {  	[tilespmem:s25], [sflag:$0x2] =	stream.linear.gather [spmem:s15], $0x2800, $0x38;
	[tilespmem:$0x1A900] =	vst v63  }
0xb6: {  	s31 =	sadd.s32 $0x1, s31;
	_ =	swait.ge [sflag:s16], $0x2800  }
0xb7: {  	p0 =	sne.s32 s31, s8;
	[sflag:s16] =	ssyncset.done $0x0  }
.Ltmp1:
0xb8: {  	[sflag:s16] =	ssyncadd.s32 $0xFFFFD800;
	(pc) =	sbr.rel @p0 .LBB2_1-.Ltmp1, $4  }
0xb9: {  	[hbm4b:s24+s4] =	stream.linear.scatter [tilespmem:s25], [sflag:$0x2], $0x2800, $0x38;
	[tilespmem:$0x1A900] =	vst v63  }
0xba: {  	_ =	swait.ge [sflag:s16], $0x2800  }
0xbb: {  	[sflag:s16] =	ssyncset.done $0x0  }
0xbc: {  	[sflag:s16] =	ssyncadd.s32 $0xFFFFD800  }
0xbd: {  	_ =	sfence.sel $0x180000  }
0xbe: {  	[bflag:$0x0] =	sbarrier.arrive $0xFFFF  }
0xbf: {  	_ =	strace $0x9000004A  }
0xc0: {  	s0 =	stileid.u32;
	[bflag:$0x2] =	sbarrier.arrive $0xFFFF  }
0xc1: {  	p0 =	sne.s32 s0, $0x0;
	s0 =	rddreg [dreg:$0x3]  }
0xc2: {  	s0 =	sadd.s32 @!p0 $0x100000, s0  }
0xc3: {  	[sflag:s0] =	ssyncadd.tile.s32 @!p0 $0x1;
	_ =	shalt  }
.Lfunc_end2:
_tile_overlayer_lowered:
.L_overlay_start_2:
0xc4: {  	(tag) =	ssettag $0x2  }
0xc5: {  	s0 =	rddreg [dreg:$0x0];
	s2 =	stileid.u32  }
0xc6: {  	s1 =	rddreg [dreg:$0x1];
	p0 =	sne.s32 s2, $0x0  }
0xc7: {  	s3 =	rddreg [dreg:$0x2];
	[bflag:$0x3] =	sbarrier.arrive $0xFFFF;
	s2 =	simm.s32 @!p0 $0x1C02  }
0xc8: {  	[timem:s3], [sflag:s2] =	dma.local @!p0 [hbm:s0], s1  }
0xc9: {  	s0 =	simm.s32 @!p0 $0x2  }
0xca: {  	_ =	swait.ge @!p0 [sflag:s0], s1  }
0xcb: {  	s1 =	ssub.s32 @!p0 $0x0, s1;
	[sflag:s0] =	ssyncset.done @!p0 $0x0  }
0xcc: {  	[sflag:s0] =	ssyncadd.s32 @!p0 s1  }
0xcd: {  	[bflag:$0x3] =	sbarrier.arrive $0xFFFF  }
0xce: {  	_ =	shalt  }

// kernel: kernel.15.cloned.1.call-start
scs
__scs_entry_jumppad:
0x0: {  	(pc) =	sbr.rel $0x88, $3  }
0x1: {  	(tag) =	ssettag $0x0;
	lr =	simm.s32 $0x1  }
0x2: {  	[smem:$0x3F95] =	sst lr;
	_ =	strace $0xD0000000  }
0x3: {  	_ = 	snop  }
0x4: {  	_ = 	snop  }
0x5: {  	_ = 	snop  }
0x6: {  	_ = 	snop  }
0x7: {  	_ = 	snop  }
__scs_overlays_trampoline_lowered:
0x8: {  	[smem:$0x3FA4] =	sst s0  }
0x9: {  	[smem:$0x3FA5] =	sst s1  }
0xa: {  	[smem:$0x3FA6] =	sst s2  }
0xb: {  	[smem:$0x3FA7] =	sst s3  }
0xc: {  	[smem:$0x3FA8] =	sst s4  }
0xd: {  	[smem:$0x3FA9] =	sst s5  }
0xe: {  	[smem:$0x3FAA] =	sst s6  }
0xf: {  	[smem:$0x3FAB] =	sst s7  }
0x10: {  	[smem:$0x3FAC] =	sst s8  }
0x11: {  	[smem:$0x3FAD] =	sst s9;
	s0 =	simm.s32 @!p0 $0x0  }
0x12: {  	s1 =	sld [smem:$0x3F93];
	s0 =	simm.s32 @p0 $0x1  }
0x13: {  	[smem:$0x3FAE] =	sst s0;
	s0 =	simm.s32 @!p1 $0x0  }
0x14: {  	s2 =	sld [smem:$0x3F92];
	s0 =	simm.s32 @p1 $0x1  }
0x15: {  	[smem:$0x3FAF] =	sst s0;
	s0 =	simm.s32 @!p2 $0x0  }
0x16: {  	s3 =	sld [smem:$0x3FDB];
	s0 =	simm.s32 @p2 $0x1  }
0x17: {  	s4 =	simm.s32 $0x1BF5;
	[smem:$0x3FB1] =	sst s0  }
0x18: {  	s0 =	sld [smem:$0x3F94];
	_ =	swait.ge [sflag:s4], $0x0  }
0x19: {  	s7 =	sld [smem:$0x3F95]  }
0x1a: {  	s8 =	sadd.s32 $0xFFFFE003, lr  }
0x1b: {  	s9 =	sadd.s32 $0xFFFFFEF7, lr;
	s5 =	simm.s32 $0xFFFFFFFF;
	p2 =	slt.u32 s8, $0xFFFFF086  }
0x1c: {  	p1 =	slt.u32 s9, $0xF7A;
	s5 =	simm.s32 @!p2 $0x0  }
0x1d: {  	s5 =	simm.s32 @p1 $0x1;
	p0 =	seq.s32 s7, s2  }
0x1e: {  	s7 =	smul.u32 @!p0 $0xF7A, s2;
	p2 =	seq.s32 @!p0 s5, $0x0  }
0x1f: {  	s9 =	smul.u32 $0xF7A, s1;
	s8 =	simm.s32 @!p0 $0x1BF5;
	p2 =	por !p2, p0  }
0x20: {  	[sflag:s8] =	ssyncset.s32 @!p0 $0xFFFFF086;
	s6 =	sadd.s32 @!p0 s3, s7;
	s7 =	simm.s32 @!p0 $0x108  }
0x21: {  	s3 =	sadd.s32 s3, s9;
	s6 =	sadd.s32 @!p0 $0x88, s6;
	s7 =	simm.s32 @p2 $0x1082  }
0x22: {  	[simem:s7], [sflag:s8] =	dma.local @!p0 [hbm:s6], $0xF7A  }
0x23: {  	s9 =	sor.u32 $0xD0000000, s2;
	s6 =	simm.s32 $0x108;
	_ =	swait.ge @!p0 [sflag:s8], $0x0  }
0x24: {  	s3 =	sadd.s32 $0x88, s3;
	s6 =	simm.s32 @!p1 $0x1082;
	[sflag:s4] =	ssyncset.s32 $0xFFFFF086  }
0x25: {  	[simem:s6], [sflag:s4] =	dma.local [hbm:s3], $0xF7A  }
0x26: {  	[smem:$0x3F95] =	sst s1;
	(tag) =	ssettag s2;
	_ =	strace s9  }
0x27: {  	s1 =	sld [smem:$0x3FA5]  }
0x28: {  	s2 =	sld [smem:$0x3FA6]  }
0x29: {  	s4 =	sld [smem:$0x3FA8]  }
0x2a: {  	p0 =	seq.s32 s5, $0x0;
	s5 =	sld [smem:$0x3FA9]  }
0x2b: {  	s6 =	sld [smem:$0x3FAA]  }
0x2c: {  	s7 =	sld [smem:$0x3FAB]  }
0x2d: {  	s3 =	simm.s32 $0x108;
	s8 =	sld [smem:$0x3FAC]  }
0x2e: {  	s3 =	simm.s32 @!p0 $0x1082;
	s9 =	sld [smem:$0x3FAD]  }
0x2f: {  	lr =	sadd.s32 s0, s3;
	s0 =	sld [smem:$0x3FA4]  }
0x30: {  	s3 =	sld [smem:$0x3FA7]  }
0x31: {  	[smem:$0x3FB0] =	sst s10  }
0x32: {  	s10 =	sld [smem:$0x3FAE];
	_ =	sdelay $0x3  }
0x33: {  	p0 =	seq.s32 s10, $0x1;
	s10 =	sld [smem:$0x3FB0];
	_ =	sdelay $0x3  }
0x34: {  	[smem:$0x3FB0] =	sst s10  }
0x35: {  	s10 =	sld [smem:$0x3FAF];
	_ =	sdelay $0x3  }
0x36: {  	p1 =	seq.s32 s10, $0x1;
	s10 =	sld [smem:$0x3FB0];
	_ =	sdelay $0x3  }
0x37: {  	[smem:$0x3FB0] =	sst s10  }
0x38: {  	s10 =	sld [smem:$0x3FB1]  }
0x39: {  	_ = 	snop;
	(pc) =	sbr.ind lr, $3  }
0x3a: {  	_ = 	snop  }
0x3b: {  	_ = 	snop  }
0x3c: {  	p2 =	seq.s32 s10, $0x1;
	s10 =	sld [smem:$0x3FB0]  }
0x3d: {  	_ =	shalt  }
0x3e: {  	_ =	shalt  }
0x3f: {  	_ =	shalt  }
0x40: {  	_ =	shalt  }
0x41: {  	_ =	shalt  }
0x42: {  	_ =	shalt  }
0x43: {  	_ =	shalt  }
0x44: {  	_ =	shalt  }
0x45: {  	_ =	shalt  }
0x46: {  	_ =	shalt  }
0x47: {  	_ =	shalt  }
0x48: {  	_ =	shalt  }
0x49: {  	_ =	shalt  }
0x4a: {  	_ =	shalt  }
0x4b: {  	_ =	shalt  }
0x4c: {  	_ =	shalt  }
0x4d: {  	_ =	shalt  }
0x4e: {  	_ =	shalt  }
0x4f: {  	_ =	shalt  }
0x50: {  	_ =	shalt  }
0x51: {  	_ =	shalt  }
0x52: {  	_ =	shalt  }
0x53: {  	_ =	shalt  }
0x54: {  	_ =	shalt  }
0x55: {  	_ =	shalt  }
0x56: {  	_ =	shalt  }
0x57: {  	_ =	shalt  }
0x58: {  	_ =	shalt  }
0x59: {  	_ =	shalt  }
0x5a: {  	_ =	shalt  }
0x5b: {  	_ =	shalt  }
0x5c: {  	_ =	shalt  }
0x5d: {  	_ =	shalt  }
0x5e: {  	_ =	shalt  }
0x5f: {  	_ =	shalt  }
0x60: {  	_ =	shalt  }
0x61: {  	_ =	shalt  }
0x62: {  	_ =	shalt  }
0x63: {  	_ =	shalt  }
0x64: {  	_ =	shalt  }
0x65: {  	_ =	shalt  }
0x66: {  	_ =	shalt  }
0x67: {  	_ =	shalt  }
0x68: {  	_ =	shalt  }
0x69: {  	_ =	shalt  }
0x6a: {  	_ =	shalt  }
0x6b: {  	_ =	shalt  }
0x6c: {  	_ =	shalt  }
0x6d: {  	_ =	shalt  }
0x6e: {  	_ =	shalt  }
0x6f: {  	_ =	shalt  }
0x70: {  	_ =	shalt  }
0x71: {  	_ =	shalt  }
0x72: {  	_ =	shalt  }
0x73: {  	_ =	shalt  }
0x74: {  	_ =	shalt  }
0x75: {  	_ =	shalt  }
0x76: {  	_ =	shalt  }
0x77: {  	_ =	shalt  }
0x78: {  	_ =	shalt  }
0x79: {  	_ =	shalt  }
0x7a: {  	_ =	shalt  }
0x7b: {  	_ =	shalt  }
0x7c: {  	_ =	shalt  }
0x7d: {  	_ =	shalt  }
0x7e: {  	_ =	shalt  }
0x7f: {  	_ =	shalt  }
0x80: {  	_ =	shalt  }
0x81: {  	_ =	shalt  }
0x82: {  	_ =	shalt  }
0x83: {  	_ =	shalt  }
0x84: {  	_ =	shalt  }
0x85: {  	_ =	shalt  }
0x86: {  	_ =	shalt  }
0x87: {  	_ =	shalt  }
.Lfunc_end0:
.L_simem_size_0:
called_computation.2_lowered:
.L_overlay_start_0:
0x88: {  	s2 =	sld [smem:$0x3FD9]  }
0x89: {  	s3 =	sld [smem:$0x3FFE];
	_ =	sdelay $0x1  }
0x8a: {  	s1 =	srdreg.scid  }
0x8b: {  	s0 =	sand.u32 $0x1, s1  }
0x8c: {  	s17 =	sshll.u32 s0, $0xA;
	s2 =	sadd.s32 s3, s2  }
0x8d: {  	s2 =	sadd.s32 s2, s17  }
0x8e: {  	[smem:$0x3FBC] =	sst s2  }
0x8f: {  	_ = 	snop  }
0x90: {  	s2 =	sld [smem:$0x3FD0];
	(tm) =	ssettm $0x1  }
0x91: {  	s18 =	sld [smem:$0x3FFB];
	_ =	sdelay $0x3  }
0x92: {  	_ =	strace s18  }
0x93: {  	s3 =	sld [smem:$0x3FFC];
	_ =	sdelay $0x3  }
0x94: {  	_ =	strace s3  }
0x95: {  	s3 =	sld [smem:$0x3FFD];
	_ =	sdelay $0x3  }
0x96: {  	_ =	strace s3  }
0x97: {  	_ =	strace $0x8FFFFFFF  }
0x98: {  	s19 =	sld [smem:$0x3FDB];
	_ =	sdelay $0x1  }
0x99: {  	s4 =	simm.s32 $_scs_section_size  }
0x9a: {  	s5 =	simm.s32 $_size__tile_overlayer_lowered;
	s6 =	simm.s32 $_tile_overlayer_lowered  }
0x9b: {  	s22 =	simm.s32 $0x1BFF;
	s21 =	sshll.u32 s6, $0x1;
	s3 =	sadd.s32 s4, s19  }
0x9c: {  	s7 =	simm.s32 $0x0;
	s20 =	sshll.u32 s5, $0x1;
	s5 =	sadd.s32 s21, s3  }
0x9d: {  	[timem:s7], [sflag:s22] =	dma.local [hbm:s5], s20  }
0x9e: {  	_ =	swait.ge [sflag:s22], s20  }
0x9f: {  	s4 =	ssub.s32 $0x0, s20;
	[sflag:s22] =	ssyncset.done $0x0  }
0xa0: {  	[sflag:s22] =	ssyncadd.s32 s4;
	_ =	sdelay $0x1  }
0xa1: {  	s23 =	simm.s32 $0x1B8B  }
0xa2: {  	_ =	swait.ge [sflag:s23], $0x1  }
0xa3: {  	[sflag:s23] =	ssyncset.done $0x0  }
0xa4: {  	s25 =	simm.s32 $0x1B8E;
	s24 =	sld [smem:$0x3FFE];
	[sflag:s23] =	ssyncadd.s32 $0xFFFFFFFF  }
0xa5: {  	s26 =	simm.s32 $execute0_lowered;
	[smem:$0x3FD2] =	sst s25  }
0xa6: {  	s5 =	sshll.u32 s26, $0x1;
	_ =	strace $0x8000004C;
	[dreg:$0x1] =	wrdreg $0xFFFFFFFF  }
0xa7: {  	s28 =	simm.s32 $_size_execute0_lowered;
	s3 =	sadd.s32 s3, s5;
	[dreg:$0x0] =	wrdreg $0x0  }
0xa8: {  	s5 =	sshll.u32 s28, $0x1;
	[dreg:$0x2] =	wrdreg s3  }
0xa9: {  	[dreg:$0x3] =	wrdreg s5  }
0xaa: {  	[dreg:$0x4] =	wrdreg $0xC0  }
0xab: {  	_ =	task [dreg:s7], $0x5FFFF  }
0xac: {  	[dreg:$0x1] =	wrdreg $0xFFFFFFFF  }
0xad: {  	[dreg:$0x0] =	wrdreg $0x60  }
0xae: {  	[dreg:$0x2] =	wrdreg s2  }
0xaf: {  	[dreg:$0x3] =	wrdreg s24  }
0xb0: {  	[dreg:$0x4] =	wrdreg $0x69000  }
0xb1: {  	[dreg:$0x5] =	wrdreg $0x9  }
0xb2: {  	_ =	task.clear_ibuf [dreg:s7], $0x6FFFF;
	_ =	strace $0x9000004C  }
0xb3: {  	s29 =	simm.s32 $0x9;
	_ =	strace $0x8000004E  }
0xb4: {  	_ =	swait.ge [sflag:s29], $0x1  }
0xb5: {  	[sflag:s29] =	ssyncadd.s32 $0xFFFFFFFF  }
0xb6: {  	_ =	strace $0x9000004E  }
0xb7: {  	_ =	sfence  }
0xb8: {  	s30 =	sld [smem:$0x0];
	_ =	sdelay $0x2  }
0xb9: {  	s31 =	sshll.u32 s1, $0xD;
	s1 =	sshrl.u32 s1, $0x2  }
0xba: {  	s3 =	sand.u32 $0x4000, s31;
	s1 =	sadd.s32 s1, s30  }
0xbb: {  	s0 =	sor.u32 s3, s0;
	s1 =	sshll.u32 s1, $0x11  }
0xbc: {  	s0 =	sor.u32 s1, s0  }
0xbd: {  	s0 =	sadd.s32 $0x8F2B, s0  }
0xbe: {  	[sflag:s0] =	ssyncadd.remote.s32 $0x1  }
0xbf: {  	_ =	sfence.sel $0xFFFF  }
0xc0: {  	[dreg:$0x0] =	wrdreg $0xFFFFFFFF;
	(pc) =	sbr.abs _section_cstart, $3  }
0xc1: {  	[dreg:$0x1] =	wrdreg $0xFFFFFFFF  }
0xc2: {  	_ =	task.clear_ibuf [dreg:s7], $0x2FFFF;
	_ =	strace $0x9FFFFFFF  }
0xc3: {  	(tm) =	ssettm $0x7FFFFFFF  }
tec
execute0_lowered:
.L_overlay_start_1:
0x0: {  	(tag) =	ssettag $0x1  }
0x1: {  	s1 =	rddreg [dreg:$0x0]  }
0x2: {  	s0 =	rddreg [dreg:$0x1]  }
0x3: {  	s3 =	rddreg [dreg:$0x2];
	s4 =	simm.s32 $0x0;
	s2 =	stileid.u32  }
0x4: {  	s5 =	srdreg.scid;
	[smem:$0x7FF] =	sst s4  }
0x5: {  	s6 =	sshll.u32 s2, $0xB;
	s7 =	sand.u32 $0x1, s5;
	s13 =	smul.u32 $0x280, s2  }
0x6: {  	s5 =	sadd.s32 $0x3400, s0;
	s22 =	smul.u32 $0x50000, s2;
	s6 =	sadd.s32 s6, s0  }
0x7: {  	s8 =	smul.u32 $0x28000, s7;
	s9 =	ssub.s32 $0x2, s7;
	s7 =	sshll.u32 s7, $0xF  }
0x8: {  	_ =	strace $0x8000004D;
	s10 =	sshrl.u32 s9, $0x1;
	s6 =	sadd.s32 s7, s6  }
0x9: {  	s7 =	sshrl.u32 s22, $0x2;
	s16 =	sor.u32 $0x50, s13;
	s17 =	sadd.s32 $0xA0, s13  }
0xa: {  	s18 =	sadd.s32 $0xF0, s13;
	s19 =	sadd.s32 $0x140, s13;
	s20 =	sadd.s32 $0x190, s13  }
0xb: {  	s21 =	sadd.s32 $0x1E0, s13;
	s22 =	sadd.s32 $0x230, s13;
	s0 =	sadd.s32 s8, s0  }
0xc: {  	s23 =	ssub.s32 s9, s10;
	s6 =	sadd.s32 $0x89A00, s6;
	s7 =	sadd.s32 s7, s3  }
0xd: {  	s24 =	sshll.u32 s16, $0x7;
	s25 =	sshll.u32 s17, $0x7;
	s11 =	sshll.u32 s18, $0x7  }
0xe: {  	s12 =	sshll.u32 s19, $0x7;
	s14 =	sshll.u32 s20, $0x7;
	s15 =	sshll.u32 s21, $0x7  }
0xf: {  	s26 =	sshll.u32 s22, $0x7;
	s28 =	sshll.u32 s19, $0x4;
	s29 =	sshll.u32 s20, $0x4  }
0x10: {  	s30 =	sshll.u32 s21, $0x4;
	s31 =	sshll.u32 s22, $0x4;
	s0 =	sadd.s32 $0x3A00, s0  }
0x11: {  	s8 =	smax.u32 s23, $0x1;
	s9 =	sadd.s32 s24, s3;
	s10 =	sadd.s32 s25, s3  }
0x12: {  	s11 =	sadd.s32 s11, s3;
	s12 =	sadd.s32 s12, s3;
	s13 =	sadd.s32 s14, s3  }
0x13: {  	s14 =	sadd.s32 s15, s3;
	s15 =	sadd.s32 s26, s3;
	s23 =	smul.u32 $0x2800, s2  }
0x14: {  	s24 =	sshll.u32 s16, $0x4;
	s25 =	sshll.u32 s17, $0x4;
	s26 =	sshll.u32 s18, $0x4  }
0x15: {  	s16 =	simm.s32 $0x2;
	s18 =	sadd.s32 s24, s0;
	s19 =	sadd.s32 s25, s0  }
0x16: {  	s20 =	sadd.s32 s26, s0;
	s21 =	sadd.s32 s28, s0;
	s22 =	sadd.s32 s29, s0  }
0x17: {  	s24 =	sadd.s32 s31, s0;
	s25 =	simm.s32 $0x4100;
	s26 =	simm.s32 $0x50  }
0x18: {  	s28 =	simm.s32 $0x4000;
	s29 =	simm.s32 $0x1;
	s31 =	simm.s32 $0x0  }
0x19: {  	s17 =	sadd.s32 s23, s0;
	s23 =	sadd.s32 s30, s0;
	s30 =	simm.s32 $0x4080  }
.LBB2_1:
0x1a: {  	[tilespmem:s4], [sflag:$0x2] =	stream.linear.gather [hbm4b:s6+s4], $0x3E80, $0x38;
	[tilespmem:$0x1A900] =	vst v63  }
0x1b: {  	_ =	swait.ge [sflag:s16], $0x3E80  }
0x1c: {  	[sflag:s16] =	ssyncset.done $0x0  }
0x1d: {  	[sflag:s16] =	ssyncadd.s32 $0xFFFFC180  }
0x1e: {  	[tilespmem:s25], [sflag:$0x2] =	stream.linear.gather [hbm4b:s5+s4], $0x2800, $0x38;
	[tilespmem:$0x1A900] =	vst v63  }
0x1f: {  	_ =	swait.ge [sflag:s16], $0x2800  }
0x20: {  	[sflag:s16] =	ssyncset.done $0x0  }
0x21: {  	[sflag:s16] =	ssyncadd.s32 $0xFFFFD800  }
0x22: {  	[spmem:s7] =	stream.linear.scatter [tilespmem:s25], [sflag:$0x2], $0x2800, $0x38;
	[tilespmem:$0x1A900] =	vst v63  }
0x23: {  	_ =	swait.ge [sflag:s16], $0x2800  }
0x24: {  	[sflag:s16] =	ssyncset.done $0x0  }
0x25: {  	[sflag:s16] =	ssyncadd.s32 $0xFFFFD800  }
0x26: {  	[spmem:s9] =	stream.linear.scatter [tilespmem:s25], [sflag:$0x2], $0x2800, $0x38;
	[tilespmem:$0x1A900] =	vst v63  }
0x27: {  	_ =	swait.ge [sflag:s16], $0x2800  }
0x28: {  	[sflag:s16] =	ssyncset.done $0x0  }
0x29: {  	[sflag:s16] =	ssyncadd.s32 $0xFFFFD800  }
0x2a: {  	[spmem:s10] =	stream.linear.scatter [tilespmem:s25], [sflag:$0x2], $0x2800, $0x38;
	[tilespmem:$0x1A900] =	vst v63  }
0x2b: {  	_ =	swait.ge [sflag:s16], $0x2800  }
0x2c: {  	[sflag:s16] =	ssyncset.done $0x0  }
0x2d: {  	[sflag:s16] =	ssyncadd.s32 $0xFFFFD800  }
0x2e: {  	[spmem:s11] =	stream.linear.scatter [tilespmem:s25], [sflag:$0x2], $0x2800, $0x38;
	[tilespmem:$0x1A900] =	vst v63  }
0x2f: {  	_ =	swait.ge [sflag:s16], $0x2800  }
0x30: {  	[sflag:s16] =	ssyncset.done $0x0  }
0x31: {  	[sflag:s16] =	ssyncadd.s32 $0xFFFFD800  }
0x32: {  	[spmem:s12] =	stream.linear.scatter [tilespmem:s25], [sflag:$0x2], $0x2800, $0x38;
	[tilespmem:$0x1A900] =	vst v63  }
0x33: {  	_ =	swait.ge [sflag:s16], $0x2800  }
0x34: {  	[sflag:s16] =	ssyncset.done $0x0  }
0x35: {  	[sflag:s16] =	ssyncadd.s32 $0xFFFFD800  }
0x36: {  	[spmem:s13] =	stream.linear.scatter [tilespmem:s25], [sflag:$0x2], $0x2800, $0x38;
	[tilespmem:$0x1A900] =	vst v63  }
0x37: {  	_ =	swait.ge [sflag:s16], $0x2800  }
0x38: {  	[sflag:s16] =	ssyncset.done $0x0  }
0x39: {  	[sflag:s16] =	ssyncadd.s32 $0xFFFFD800  }
0x3a: {  	[spmem:s14] =	stream.linear.scatter [tilespmem:s25], [sflag:$0x2], $0x2800, $0x38;
	[tilespmem:$0x1A900] =	vst v63  }
0x3b: {  	_ =	swait.ge [sflag:s16], $0x2800  }
0x3c: {  	[sflag:s16] =	ssyncset.done $0x0  }
0x3d: {  	[sflag:s16] =	ssyncadd.s32 $0xFFFFD800  }
0x3e: {  	[spmem:s15] =	stream.linear.scatter [tilespmem:s25], [sflag:$0x2], $0x2800, $0x38;
	[tilespmem:$0x1A900] =	vst v63  }
0x3f: {  	_ =	swait.ge [sflag:s16], $0x2800  }
0x40: {  	[sflag:s16] =	ssyncset.done $0x0  }
0x41: {  	[sflag:s16] =	ssyncadd.s32 $0xFFFFD800  }
0x42: {  	s0 =	simm.s32 $0x0;
	[bflag:$0x0] =	sbarrier.arrive $0xFFFF  }
0x43: {  	v0 =	vld [tilespmem:s0+$0x0];
	_ =	sdelay $0x4  }
0x44: {  	v1 =	vshrl.u32 v0, $0xE  }
0x45: {  	v0 =	vand.u32 $0x3FFF, v0;
	[tilespmem:$0x4000] =	vst v1  }
0x46: {  	[tilespmem:$0x4080] =	vst v0  }
0x47: {  	v0 =	vld [tilespmem:s0+$0x10];
	_ =	sdelay $0x4  }
0x48: {  	v60 =	vshrl.u32 v0, $0xE  }
0x49: {  	v0 =	vand.u32 $0x3FFF, v0;
	[tilespmem:$0x4010] =	vst v60  }
0x4a: {  	[tilespmem:$0x4090] =	vst v0  }
0x4b: {  	v0 =	vld [tilespmem:s0+$0x20];
	_ =	sdelay $0x4  }
0x4c: {  	v61 =	vshrl.u32 v0, $0xE  }
0x4d: {  	v0 =	vand.u32 $0x3FFF, v0;
	[tilespmem:$0x4020] =	vst v61  }
0x4e: {  	[tilespmem:$0x40A0] =	vst v0  }
0x4f: {  	v0 =	vld [tilespmem:s0+$0x30];
	_ =	sdelay $0x4  }
0x50: {  	v62 =	vshrl.u32 v0, $0xE  }
0x51: {  	v0 =	vand.u32 $0x3FFF, v0;
	[tilespmem:$0x4030] =	vst v62  }
0x52: {  	[tilespmem:$0x40B0] =	vst v0  }
0x53: {  	v0 =	vld [tilespmem:s0+$0x40];
	_ =	sdelay $0x4  }
0x54: {  	v63 =	vshrl.u32 v0, $0xE  }
0x55: {  	v0 =	vand.u32 $0x3FFF, v0;
	[tilespmem:$0x4040] =	vst v63  }
0x56: {  	[tilespmem:$0x40C0] =	vst v0  }
0x57: {  	[tilespmem:s25], [sflag:$0x1] =	stream.indirect.gather [hbm4b:s1+s26], $0x80, s28, s26, $0xb8;
	[tilespmem:$0x1A900] =	vst v63  }
0x58: {  	s0 =	simm.s32 $0x200;
	_ =	swait.ge [sflag:s29], $0x2800  }
.LBB2_2:
0x59: {  	p0 =	sne.s32 s0, $0xF800  }
0x5a: {  	[sflag:s29] =	ssyncset.done $0x0;
	s2 =	smov.u32 s0;
	s0 =	sadd.s32 $0x200, s0  }
0x5b: {  	[sflag:s29] =	ssyncadd.s32 $0xFFFFD800  }
0x5c: {  	[spmem:s3] =	stream.indirect.scatter.add.f32 [tilespmem:s25], [sflag:$0x2], $0x80, s30, s26, $0xb8;
	[tilespmem:$0x1A900] =	vst v63  }
0x5d: {  	_ =	swait.ge [sflag:s16], $0x2800  }
0x5e: {  	[sflag:s16] =	ssyncset.done $0x0  }
0x5f: {  	s2 =	sshra.s32 s2, $0x2;
	[sflag:s16] =	ssyncadd.s32 $0xFFFFD800  }
0x60: {  	v0 =	vld [tilespmem:s2+$0x0];
	_ =	sdelay $0x4  }
0x61: {  	v1 =	vshrl.u32 v0, $0xE;
	v0 =	vand.u32 $0x3FFF, v0  }
0x62: {  	[tilespmem:$0x4000] =	vst v1  }
0x63: {  	[tilespmem:$0x4080] =	vst v0  }
0x64: {  	v0 =	vld [tilespmem:s2+$0x10];
	_ =	sdelay $0x4  }
0x65: {  	v1 =	vshrl.u32 v0, $0xE;
	v0 =	vand.u32 $0x3FFF, v0  }
0x66: {  	[tilespmem:$0x4010] =	vst v1  }
0x67: {  	[tilespmem:$0x4090] =	vst v0  }
0x68: {  	v0 =	vld [tilespmem:s2+$0x20];
	_ =	sdelay $0x4  }
0x69: {  	v1 =	vshrl.u32 v0, $0xE;
	v0 =	vand.u32 $0x3FFF, v0  }
0x6a: {  	[tilespmem:$0x4020] =	vst v1  }
0x6b: {  	[tilespmem:$0x40A0] =	vst v0  }
0x6c: {  	v0 =	vld [tilespmem:s2+$0x30];
	_ =	sdelay $0x4  }
0x6d: {  	v1 =	vshrl.u32 v0, $0xE;
	v0 =	vand.u32 $0x3FFF, v0  }
0x6e: {  	[tilespmem:$0x4030] =	vst v1  }
0x6f: {  	[tilespmem:$0x40B0] =	vst v0  }
0x70: {  	v0 =	vld [tilespmem:s2+$0x40];
	_ =	sdelay $0x4  }
.Ltmp0:
0x71: {  	v1 =	vshrl.u32 v0, $0xE;
	v0 =	vand.u32 $0x3FFF, v0;
	(pc) =	sbr.rel @p0 .LBB2_2-.Ltmp0, $4  }
0x72: {  	[tilespmem:$0x4040] =	vst v1  }
0x73: {  	[tilespmem:$0x40C0] =	vst v0  }
0x74: {  	[tilespmem:s25], [sflag:$0x1] =	stream.indirect.gather [hbm4b:s1+s26], $0x80, s28, s26, $0xb8;
	[tilespmem:$0x1A900] =	vst v63  }
0x75: {  	_ =	swait.ge [sflag:s29], $0x2800  }
0x76: {  	[sflag:s29] =	ssyncset.done $0x0  }
0x77: {  	[sflag:s29] =	ssyncadd.s32 $0xFFFFD800  }
0x78: {  	[spmem:s3] =	stream.indirect.scatter.add.f32 [tilespmem:s25], [sflag:$0x2], $0x80, s30, s26, $0xb8;
	[tilespmem:$0x1A900] =	vst v63  }
0x79: {  	_ =	swait.ge [sflag:s16], $0x2800  }
0x7a: {  	[sflag:s16] =	ssyncset.done $0x0  }
0x7b: {  	[sflag:s16] =	ssyncadd.s32 $0xFFFFD800  }
0x7c: {  	[bflag:$0x0] =	sbarrier.arrive $0xFFFF  }
0x7d: {  	[tilespmem:s25], [sflag:$0x2] =	stream.linear.gather [spmem:s7], $0x2800, $0x38;
	[tilespmem:$0x1A900] =	vst v63  }
0x7e: {  	_ =	swait.ge [sflag:s16], $0x2800  }
0x7f: {  	[sflag:s16] =	ssyncset.done $0x0  }
0x80: {  	[sflag:s16] =	ssyncadd.s32 $0xFFFFD800  }
0x81: {  	[hbm4b:s17+s4] =	stream.linear.scatter [tilespmem:s25], [sflag:$0x2], $0x2800, $0x38;
	[tilespmem:$0x1A900] =	vst v63  }
0x82: {  	_ =	swait.ge [sflag:s16], $0x2800  }
0x83: {  	[sflag:s16] =	ssyncset.done $0x0  }
0x84: {  	[sflag:s16] =	ssyncadd.s32 $0xFFFFD800  }
0x85: {  	[tilespmem:s25], [sflag:$0x2] =	stream.linear.gather [spmem:s9], $0x2800, $0x38;
	[tilespmem:$0x1A900] =	vst v63  }
0x86: {  	_ =	swait.ge [sflag:s16], $0x2800  }
0x87: {  	[sflag:s16] =	ssyncset.done $0x0  }
0x88: {  	[sflag:s16] =	ssyncadd.s32 $0xFFFFD800  }
0x89: {  	[hbm4b:s18+s4] =	stream.linear.scatter [tilespmem:s25], [sflag:$0x2], $0x2800, $0x38;
	[tilespmem:$0x1A900] =	vst v63  }
0x8a: {  	_ =	swait.ge [sflag:s16], $0x2800  }
0x8b: {  	[sflag:s16] =	ssyncset.done $0x0  }
0x8c: {  	[sflag:s16] =	ssyncadd.s32 $0xFFFFD800  }
0x8d: {  	[tilespmem:s25], [sflag:$0x2] =	stream.linear.gather [spmem:s10], $0x2800, $0x38;
	[tilespmem:$0x1A900] =	vst v63  }
0x8e: {  	_ =	swait.ge [sflag:s16], $0x2800  }
0x8f: {  	[sflag:s16] =	ssyncset.done $0x0  }
0x90: {  	[sflag:s16] =	ssyncadd.s32 $0xFFFFD800  }
0x91: {  	[hbm4b:s19+s4] =	stream.linear.scatter [tilespmem:s25], [sflag:$0x2], $0x2800, $0x38;
	[tilespmem:$0x1A900] =	vst v63  }
0x92: {  	_ =	swait.ge [sflag:s16], $0x2800  }
0x93: {  	[sflag:s16] =	ssyncset.done $0x0  }
0x94: {  	[sflag:s16] =	ssyncadd.s32 $0xFFFFD800  }
0x95: {  	[tilespmem:s25], [sflag:$0x2] =	stream.linear.gather [spmem:s11], $0x2800, $0x38;
	[tilespmem:$0x1A900] =	vst v63  }
0x96: {  	_ =	swait.ge [sflag:s16], $0x2800  }
0x97: {  	[sflag:s16] =	ssyncset.done $0x0  }
0x98: {  	[sflag:s16] =	ssyncadd.s32 $0xFFFFD800  }
0x99: {  	[hbm4b:s20+s4] =	stream.linear.scatter [tilespmem:s25], [sflag:$0x2], $0x2800, $0x38;
	[tilespmem:$0x1A900] =	vst v63  }
0x9a: {  	_ =	swait.ge [sflag:s16], $0x2800  }
0x9b: {  	[sflag:s16] =	ssyncset.done $0x0  }
0x9c: {  	[sflag:s16] =	ssyncadd.s32 $0xFFFFD800  }
0x9d: {  	[tilespmem:s25], [sflag:$0x2] =	stream.linear.gather [spmem:s12], $0x2800, $0x38;
	[tilespmem:$0x1A900] =	vst v63  }
0x9e: {  	_ =	swait.ge [sflag:s16], $0x2800  }
0x9f: {  	[sflag:s16] =	ssyncset.done $0x0  }
0xa0: {  	[sflag:s16] =	ssyncadd.s32 $0xFFFFD800  }
0xa1: {  	[hbm4b:s21+s4] =	stream.linear.scatter [tilespmem:s25], [sflag:$0x2], $0x2800, $0x38;
	[tilespmem:$0x1A900] =	vst v63  }
0xa2: {  	_ =	swait.ge [sflag:s16], $0x2800  }
0xa3: {  	[sflag:s16] =	ssyncset.done $0x0  }
0xa4: {  	[sflag:s16] =	ssyncadd.s32 $0xFFFFD800  }
0xa5: {  	[tilespmem:s25], [sflag:$0x2] =	stream.linear.gather [spmem:s13], $0x2800, $0x38;
	[tilespmem:$0x1A900] =	vst v63  }
0xa6: {  	_ =	swait.ge [sflag:s16], $0x2800  }
0xa7: {  	[sflag:s16] =	ssyncset.done $0x0  }
0xa8: {  	[sflag:s16] =	ssyncadd.s32 $0xFFFFD800  }
0xa9: {  	[hbm4b:s22+s4] =	stream.linear.scatter [tilespmem:s25], [sflag:$0x2], $0x2800, $0x38;
	[tilespmem:$0x1A900] =	vst v63  }
0xaa: {  	_ =	swait.ge [sflag:s16], $0x2800  }
0xab: {  	[sflag:s16] =	ssyncset.done $0x0  }
0xac: {  	[sflag:s16] =	ssyncadd.s32 $0xFFFFD800  }
0xad: {  	[tilespmem:s25], [sflag:$0x2] =	stream.linear.gather [spmem:s14], $0x2800, $0x38;
	[tilespmem:$0x1A900] =	vst v63  }
0xae: {  	_ =	swait.ge [sflag:s16], $0x2800  }
0xaf: {  	[sflag:s16] =	ssyncset.done $0x0  }
0xb0: {  	[sflag:s16] =	ssyncadd.s32 $0xFFFFD800  }
0xb1: {  	[hbm4b:s23+s4] =	stream.linear.scatter [tilespmem:s25], [sflag:$0x2], $0x2800, $0x38;
	[tilespmem:$0x1A900] =	vst v63  }
0xb2: {  	_ =	swait.ge [sflag:s16], $0x2800  }
0xb3: {  	[sflag:s16] =	ssyncset.done $0x0  }
0xb4: {  	[sflag:s16] =	ssyncadd.s32 $0xFFFFD800  }
0xb5: {  	[tilespmem:s25], [sflag:$0x2] =	stream.linear.gather [spmem:s15], $0x2800, $0x38;
	[tilespmem:$0x1A900] =	vst v63  }
0xb6: {  	s31 =	sadd.s32 $0x1, s31;
	_ =	swait.ge [sflag:s16], $0x2800  }
0xb7: {  	p0 =	sne.s32 s31, s8;
	[sflag:s16] =	ssyncset.done $0x0  }
.Ltmp1:
0xb8: {  	[sflag:s16] =	ssyncadd.s32 $0xFFFFD800;
	(pc) =	sbr.rel @p0 .LBB2_1-.Ltmp1, $4  }
0xb9: {  	[hbm4b:s24+s4] =	stream.linear.scatter [tilespmem:s25], [sflag:$0x2], $0x2800, $0x38;
	[tilespmem:$0x1A900] =	vst v63  }
0xba: {  	_ =	swait.ge [sflag:s16], $0x2800  }
0xbb: {  	[sflag:s16] =	ssyncset.done $0x0  }
0xbc: {  	[sflag:s16] =	ssyncadd.s32 $0xFFFFD800  }
0xbd: {  	_ =	sfence.sel $0x180000  }
0xbe: {  	[bflag:$0x0] =	sbarrier.arrive $0xFFFF  }
0xbf: {  	_ =	strace $0x9000004D  }
0xc0: {  	s0 =	stileid.u32;
	[bflag:$0x2] =	sbarrier.arrive $0xFFFF  }
0xc1: {  	p0 =	sne.s32 s0, $0x0;
	s0 =	rddreg [dreg:$0x3]  }
0xc2: {  	s0 =	sadd.s32 @!p0 $0x100000, s0  }
0xc3: {  	[sflag:s0] =	ssyncadd.tile.s32 @!p0 $0x1;
	_ =	shalt  }
.Lfunc_end2:
_tile_overlayer_lowered:
.L_overlay_start_2:
0xc4: {  	(tag) =	ssettag $0x2  }
0xc5: {  	s0 =	rddreg [dreg:$0x0];
	s2 =	stileid.u32  }
0xc6: {  	s1 =	rddreg [dreg:$0x1];
	p0 =	sne.s32 s2, $0x0  }
0xc7: {  	s3 =	rddreg [dreg:$0x2];
	[bflag:$0x3] =	sbarrier.arrive $0xFFFF;
	s2 =	simm.s32 @!p0 $0x1C02  }
0xc8: {  	[timem:s3], [sflag:s2] =	dma.local @!p0 [hbm:s0], s1  }
0xc9: {  	s0 =	simm.s32 @!p0 $0x2  }
0xca: {  	_ =	swait.ge @!p0 [sflag:s0], s1  }
0xcb: {  	s1 =	ssub.s32 @!p0 $0x0, s1;
	[sflag:s0] =	ssyncset.done @!p0 $0x0  }
0xcc: {  	[sflag:s0] =	ssyncadd.s32 @!p0 s1  }
0xcd: {  	[bflag:$0x3] =	sbarrier.arrive $0xFFFF  }
0xce: {  	_ =	shalt  }

// kernel: kernel.9.cloned.1.call-start
scs
__scs_entry_jumppad:
0x0: {  	(pc) =	sbr.rel $0x88, $3  }
0x1: {  	(tag) =	ssettag $0x0;
	lr =	simm.s32 $0x1  }
0x2: {  	[smem:$0x3F95] =	sst lr;
	_ =	strace $0xD0000000  }
0x3: {  	_ = 	snop  }
0x4: {  	_ = 	snop  }
0x5: {  	_ = 	snop  }
0x6: {  	_ = 	snop  }
0x7: {  	_ = 	snop  }
__scs_overlays_trampoline_lowered:
0x8: {  	[smem:$0x3FA4] =	sst s0  }
0x9: {  	[smem:$0x3FA5] =	sst s1  }
0xa: {  	[smem:$0x3FA6] =	sst s2  }
0xb: {  	[smem:$0x3FA7] =	sst s3  }
0xc: {  	[smem:$0x3FA8] =	sst s4  }
0xd: {  	[smem:$0x3FA9] =	sst s5  }
0xe: {  	[smem:$0x3FAA] =	sst s6  }
0xf: {  	[smem:$0x3FAB] =	sst s7  }
0x10: {  	[smem:$0x3FAC] =	sst s8  }
0x11: {  	[smem:$0x3FAD] =	sst s9;
	s0 =	simm.s32 @!p0 $0x0  }
0x12: {  	s1 =	sld [smem:$0x3F93];
	s0 =	simm.s32 @p0 $0x1  }
0x13: {  	[smem:$0x3FAE] =	sst s0;
	s0 =	simm.s32 @!p1 $0x0  }
0x14: {  	s2 =	sld [smem:$0x3F92];
	s0 =	simm.s32 @p1 $0x1  }
0x15: {  	[smem:$0x3FAF] =	sst s0;
	s0 =	simm.s32 @!p2 $0x0  }
0x16: {  	s3 =	sld [smem:$0x3FDB];
	s0 =	simm.s32 @p2 $0x1  }
0x17: {  	s4 =	simm.s32 $0x1BF5;
	[smem:$0x3FB1] =	sst s0  }
0x18: {  	s0 =	sld [smem:$0x3F94];
	_ =	swait.ge [sflag:s4], $0x0  }
0x19: {  	s7 =	sld [smem:$0x3F95]  }
0x1a: {  	s8 =	sadd.s32 $0xFFFFE003, lr  }
0x1b: {  	s9 =	sadd.s32 $0xFFFFFEF7, lr;
	s5 =	simm.s32 $0xFFFFFFFF;
	p2 =	slt.u32 s8, $0xFFFFF086  }
0x1c: {  	p1 =	slt.u32 s9, $0xF7A;
	s5 =	simm.s32 @!p2 $0x0  }
0x1d: {  	s5 =	simm.s32 @p1 $0x1;
	p0 =	seq.s32 s7, s2  }
0x1e: {  	s7 =	smul.u32 @!p0 $0xF7A, s2;
	p2 =	seq.s32 @!p0 s5, $0x0  }
0x1f: {  	s9 =	smul.u32 $0xF7A, s1;
	s8 =	simm.s32 @!p0 $0x1BF5;
	p2 =	por !p2, p0  }
0x20: {  	[sflag:s8] =	ssyncset.s32 @!p0 $0xFFFFF086;
	s6 =	sadd.s32 @!p0 s3, s7;
	s7 =	simm.s32 @!p0 $0x108  }
0x21: {  	s3 =	sadd.s32 s3, s9;
	s6 =	sadd.s32 @!p0 $0x88, s6;
	s7 =	simm.s32 @p2 $0x1082  }
0x22: {  	[simem:s7], [sflag:s8] =	dma.local @!p0 [hbm:s6], $0xF7A  }
0x23: {  	s9 =	sor.u32 $0xD0000000, s2;
	s6 =	simm.s32 $0x108;
	_ =	swait.ge @!p0 [sflag:s8], $0x0  }
0x24: {  	s3 =	sadd.s32 $0x88, s3;
	s6 =	simm.s32 @!p1 $0x1082;
	[sflag:s4] =	ssyncset.s32 $0xFFFFF086  }
0x25: {  	[simem:s6], [sflag:s4] =	dma.local [hbm:s3], $0xF7A  }
0x26: {  	[smem:$0x3F95] =	sst s1;
	(tag) =	ssettag s2;
	_ =	strace s9  }
0x27: {  	s1 =	sld [smem:$0x3FA5]  }
0x28: {  	s2 =	sld [smem:$0x3FA6]  }
0x29: {  	s4 =	sld [smem:$0x3FA8]  }
0x2a: {  	p0 =	seq.s32 s5, $0x0;
	s5 =	sld [smem:$0x3FA9]  }
0x2b: {  	s6 =	sld [smem:$0x3FAA]  }
0x2c: {  	s7 =	sld [smem:$0x3FAB]  }
0x2d: {  	s3 =	simm.s32 $0x108;
	s8 =	sld [smem:$0x3FAC]  }
0x2e: {  	s3 =	simm.s32 @!p0 $0x1082;
	s9 =	sld [smem:$0x3FAD]  }
0x2f: {  	lr =	sadd.s32 s0, s3;
	s0 =	sld [smem:$0x3FA4]  }
0x30: {  	s3 =	sld [smem:$0x3FA7]  }
0x31: {  	[smem:$0x3FB0] =	sst s10  }
0x32: {  	s10 =	sld [smem:$0x3FAE];
	_ =	sdelay $0x3  }
0x33: {  	p0 =	seq.s32 s10, $0x1;
	s10 =	sld [smem:$0x3FB0];
	_ =	sdelay $0x3  }
0x34: {  	[smem:$0x3FB0] =	sst s10  }
0x35: {  	s10 =	sld [smem:$0x3FAF];
	_ =	sdelay $0x3  }
0x36: {  	p1 =	seq.s32 s10, $0x1;
	s10 =	sld [smem:$0x3FB0];
	_ =	sdelay $0x3  }
0x37: {  	[smem:$0x3FB0] =	sst s10  }
0x38: {  	s10 =	sld [smem:$0x3FB1]  }
0x39: {  	_ = 	snop;
	(pc) =	sbr.ind lr, $3  }
0x3a: {  	_ = 	snop  }
0x3b: {  	_ = 	snop  }
0x3c: {  	p2 =	seq.s32 s10, $0x1;
	s10 =	sld [smem:$0x3FB0]  }
0x3d: {  	_ =	shalt  }
0x3e: {  	_ =	shalt  }
0x3f: {  	_ =	shalt  }
0x40: {  	_ =	shalt  }
0x41: {  	_ =	shalt  }
0x42: {  	_ =	shalt  }
0x43: {  	_ =	shalt  }
0x44: {  	_ =	shalt  }
0x45: {  	_ =	shalt  }
0x46: {  	_ =	shalt  }
0x47: {  	_ =	shalt  }
0x48: {  	_ =	shalt  }
0x49: {  	_ =	shalt  }
0x4a: {  	_ =	shalt  }
0x4b: {  	_ =	shalt  }
0x4c: {  	_ =	shalt  }
0x4d: {  	_ =	shalt  }
0x4e: {  	_ =	shalt  }
0x4f: {  	_ =	shalt  }
0x50: {  	_ =	shalt  }
0x51: {  	_ =	shalt  }
0x52: {  	_ =	shalt  }
0x53: {  	_ =	shalt  }
0x54: {  	_ =	shalt  }
0x55: {  	_ =	shalt  }
0x56: {  	_ =	shalt  }
0x57: {  	_ =	shalt  }
0x58: {  	_ =	shalt  }
0x59: {  	_ =	shalt  }
0x5a: {  	_ =	shalt  }
0x5b: {  	_ =	shalt  }
0x5c: {  	_ =	shalt  }
0x5d: {  	_ =	shalt  }
0x5e: {  	_ =	shalt  }
0x5f: {  	_ =	shalt  }
0x60: {  	_ =	shalt  }
0x61: {  	_ =	shalt  }
0x62: {  	_ =	shalt  }
0x63: {  	_ =	shalt  }
0x64: {  	_ =	shalt  }
0x65: {  	_ =	shalt  }
0x66: {  	_ =	shalt  }
0x67: {  	_ =	shalt  }
0x68: {  	_ =	shalt  }
0x69: {  	_ =	shalt  }
0x6a: {  	_ =	shalt  }
0x6b: {  	_ =	shalt  }
0x6c: {  	_ =	shalt  }
0x6d: {  	_ =	shalt  }
0x6e: {  	_ =	shalt  }
0x6f: {  	_ =	shalt  }
0x70: {  	_ =	shalt  }
0x71: {  	_ =	shalt  }
0x72: {  	_ =	shalt  }
0x73: {  	_ =	shalt  }
0x74: {  	_ =	shalt  }
0x75: {  	_ =	shalt  }
0x76: {  	_ =	shalt  }
0x77: {  	_ =	shalt  }
0x78: {  	_ =	shalt  }
0x79: {  	_ =	shalt  }
0x7a: {  	_ =	shalt  }
0x7b: {  	_ =	shalt  }
0x7c: {  	_ =	shalt  }
0x7d: {  	_ =	shalt  }
0x7e: {  	_ =	shalt  }
0x7f: {  	_ =	shalt  }
0x80: {  	_ =	shalt  }
0x81: {  	_ =	shalt  }
0x82: {  	_ =	shalt  }
0x83: {  	_ =	shalt  }
0x84: {  	_ =	shalt  }
0x85: {  	_ =	shalt  }
0x86: {  	_ =	shalt  }
0x87: {  	_ =	shalt  }
.Lfunc_end0:
.L_simem_size_0:
called_computation_lowered:
.L_overlay_start_0:
0x88: {  	s2 =	sld [smem:$0x3FD9]  }
0x89: {  	s3 =	sld [smem:$0x3FFE];
	_ =	sdelay $0x1  }
0x8a: {  	s1 =	srdreg.scid  }
0x8b: {  	s0 =	sand.u32 $0x1, s1  }
0x8c: {  	s17 =	sshll.u32 s0, $0xA;
	s2 =	sadd.s32 s3, s2  }
0x8d: {  	s2 =	sadd.s32 s2, s17  }
0x8e: {  	[smem:$0x3FBC] =	sst s2  }
0x8f: {  	_ = 	snop  }
0x90: {  	s2 =	sld [smem:$0x3FD0];
	(tm) =	ssettm $0x1  }
0x91: {  	s18 =	sld [smem:$0x3FFB];
	_ =	sdelay $0x3  }
0x92: {  	_ =	strace s18  }
0x93: {  	s3 =	sld [smem:$0x3FFC];
	_ =	sdelay $0x3  }
0x94: {  	_ =	strace s3  }
0x95: {  	s3 =	sld [smem:$0x3FFD];
	_ =	sdelay $0x3  }
0x96: {  	_ =	strace s3  }
0x97: {  	_ =	strace $0x8FFFFFFF  }
0x98: {  	s19 =	sld [smem:$0x3FDB];
	_ =	sdelay $0x1  }
0x99: {  	s4 =	simm.s32 $_scs_section_size  }
0x9a: {  	s5 =	simm.s32 $_size__tile_overlayer_lowered;
	s6 =	simm.s32 $_tile_overlayer_lowered  }
0x9b: {  	s22 =	simm.s32 $0x1BFF;
	s21 =	sshll.u32 s6, $0x1;
	s3 =	sadd.s32 s4, s19  }
0x9c: {  	s7 =	simm.s32 $0x0;
	s20 =	sshll.u32 s5, $0x1;
	s5 =	sadd.s32 s21, s3  }
0x9d: {  	[timem:s7], [sflag:s22] =	dma.local [hbm:s5], s20  }
0x9e: {  	_ =	swait.ge [sflag:s22], s20  }
0x9f: {  	s4 =	ssub.s32 $0x0, s20;
	[sflag:s22] =	ssyncset.done $0x0  }
0xa0: {  	[sflag:s22] =	ssyncadd.s32 s4;
	_ =	sdelay $0x1  }
0xa1: {  	s23 =	simm.s32 $0x1B8B  }
0xa2: {  	_ =	swait.ge [sflag:s23], $0x1  }
0xa3: {  	[sflag:s23] =	ssyncset.done $0x0  }
0xa4: {  	s25 =	simm.s32 $0x1B8E;
	s24 =	sld [smem:$0x3FFE];
	[sflag:s23] =	ssyncadd.s32 $0xFFFFFFFF  }
0xa5: {  	s26 =	simm.s32 $execute0_lowered;
	[smem:$0x3FD2] =	sst s25  }
0xa6: {  	s5 =	sshll.u32 s26, $0x1;
	_ =	strace $0x80000046;
	[dreg:$0x1] =	wrdreg $0xFFFFFFFF  }
0xa7: {  	s28 =	simm.s32 $_size_execute0_lowered;
	s3 =	sadd.s32 s3, s5;
	[dreg:$0x0] =	wrdreg $0x0  }
0xa8: {  	s5 =	sshll.u32 s28, $0x1;
	[dreg:$0x2] =	wrdreg s3  }
0xa9: {  	[dreg:$0x3] =	wrdreg s5  }
0xaa: {  	[dreg:$0x4] =	wrdreg $0xC0  }
0xab: {  	_ =	task [dreg:s7], $0x5FFFF  }
0xac: {  	[dreg:$0x1] =	wrdreg $0xFFFFFFFF  }
0xad: {  	[dreg:$0x0] =	wrdreg $0x60  }
0xae: {  	[dreg:$0x2] =	wrdreg s24  }
0xaf: {  	[dreg:$0x3] =	wrdreg s2  }
0xb0: {  	[dreg:$0x4] =	wrdreg $0x54B00  }
0xb1: {  	[dreg:$0x5] =	wrdreg $0x9  }
0xb2: {  	_ =	task.clear_ibuf [dreg:s7], $0x6FFFF;
	_ =	strace $0x90000046  }
0xb3: {  	s29 =	simm.s32 $0x9;
	_ =	strace $0x80000048  }
0xb4: {  	_ =	swait.ge [sflag:s29], $0x1  }
0xb5: {  	[sflag:s29] =	ssyncadd.s32 $0xFFFFFFFF  }
0xb6: {  	_ =	strace $0x90000048  }
0xb7: {  	_ =	sfence  }
0xb8: {  	s30 =	sld [smem:$0x0];
	_ =	sdelay $0x2  }
0xb9: {  	s31 =	sshll.u32 s1, $0xD;
	s1 =	sshrl.u32 s1, $0x2  }
0xba: {  	s3 =	sand.u32 $0x4000, s31;
	s1 =	sadd.s32 s1, s30  }
0xbb: {  	s0 =	sor.u32 s3, s0;
	s1 =	sshll.u32 s1, $0x11  }
0xbc: {  	s0 =	sor.u32 s1, s0  }
0xbd: {  	s0 =	sadd.s32 $0x8F2B, s0  }
0xbe: {  	[sflag:s0] =	ssyncadd.remote.s32 $0x1  }
0xbf: {  	_ =	sfence.sel $0xFFFF  }
0xc0: {  	[dreg:$0x0] =	wrdreg $0xFFFFFFFF;
	(pc) =	sbr.abs _section_cstart, $3  }
0xc1: {  	[dreg:$0x1] =	wrdreg $0xFFFFFFFF  }
0xc2: {  	_ =	task.clear_ibuf [dreg:s7], $0x2FFFF;
	_ =	strace $0x9FFFFFFF  }
0xc3: {  	(tm) =	ssettm $0x7FFFFFFF  }
tec
execute0_lowered:
.L_overlay_start_1:
0x0: {  	(tag) =	ssettag $0x1  }
0x1: {  	s16 =	rddreg [dreg:$0x0]  }
0x2: {  	s3 =	rddreg [dreg:$0x1]  }
0x3: {  	s1 =	rddreg [dreg:$0x2];
	s19 =	stileid.u32  }
0x4: {  	s4 =	srdreg.scid;
	s7 =	smul.u32 $0x280, s19  }
0x5: {  	s2 =	simm.s32 $0x0;
	s4 =	sand.u32 $0x1, s4;
	s9 =	smul.u32 $0x16800, s19  }
0x6: {  	[smem:$0x7FF] =	sst s2;
	s5 =	smul.u32 $0x2D000, s4;
	s6 =	sshll.u32 s4, $0x4  }
0x7: {  	_ =	strace $0x80000047;
	s4 =	ssub.s32 $0x2, s4;
	s6 =	sor.u32 s19, s6  }
0x8: {  	s8 =	sshrl.u32 s4, $0x1;
	s10 =	sor.u32 $0x50, s7;
	s7 =	sadd.s32 $0xA0, s7  }
0x9: {  	s20 =	sshrl.u32 s9, $0x3;
	s28 =	sadd.s32 $0x8700, s9;
	s29 =	sadd.s32 $0xB400, s9  }
0xa: {  	s30 =	sadd.s32 $0xE100, s9;
	s31 =	sadd.s32 $0x10E00, s9;
	s6 =	smul.u32 $0x4E2, s6  }
0xb: {  	s5 =	sadd.s32 s5, s16;
	s4 =	ssub.s32 s4, s8;
	s8 =	smul.u32 $0x90, s10  }
0xc: {  	s13 =	sshrl.u32 s28, $0x3;
	s14 =	sshrl.u32 s29, $0x3;
	s15 =	sshrl.u32 s30, $0x3  }
0xd: {  	s17 =	sshrl.u32 s31, $0x3;
	s28 =	sadd.s32 s28, s1;
	s29 =	sadd.s32 s29, s1  }
0xe: {  	s0 =	sadd.s32 s3, s6;
	s3 =	sadd.s32 $0x2FA00, s5;
	s5 =	smul.u32 $0x90, s7  }
0xf: {  	s30 =	sadd.s32 s30, s1;
	s31 =	sadd.s32 s31, s1;
	s6 =	smul.u32 $0x240, s10  }
0x10: {  	s11 =	sshrl.u32 s8, $0x3;
	[dreg:$0x4] =	wrdreg s0;
	s0 =	sadd.s32 $0x13B00, s9  }
0x11: {  	s10 =	sadd.s32 s20, s3;
	s21 =	sadd.s32 s11, s3;
	s23 =	sadd.s32 s13, s3  }
0x12: {  	s24 =	sadd.s32 s14, s3;
	s25 =	sadd.s32 s15, s3;
	s26 =	sadd.s32 s17, s3  }
0x13: {  	s13 =	sadd.s32 $0x3400, s16;
	s11 =	smul.u32 $0x5A000, s19;
	[dreg:$0x5] =	wrdreg s10  }
0x14: {  	s14 =	sadd.s32 $0x2F400, s16;
	s15 =	sadd.s32 s9, s1;
	[dreg:$0x6] =	wrdreg s21  }
0x15: {  	s16 =	smax.u32 s4, $0x1;
	s20 =	smul.u32 $0x240, s7;
	[dreg:$0x8] =	wrdreg s23  }
0x16: {  	s7 =	simm.s32 $0x1;
	s9 =	simm.s32 $0x0;
	[dreg:$0x9] =	wrdreg s24  }
0x17: {  	s12 =	sshrl.u32 s5, $0x3;
	s18 =	sshrl.u32 s0, $0x3;
	[dreg:$0xa] =	wrdreg s25  }
0x18: {  	[dreg:$0xb] =	wrdreg s26;
	s19 =	sshrl.u32 s6, $0x2;
	s0 =	sadd.s32 s0, s1  }
0x19: {  	s22 =	sadd.s32 s12, s3;
	s12 =	sadd.s32 s18, s3;
	s21 =	sshrl.u32 s11, $0x2  }
0x1a: {  	s18 =	sadd.s32 s19, s1;
	s6 =	sshrl.u32 s20, $0x2;
	s23 =	sadd.s32 $0x2D000, s11  }
0x1b: {  	s25 =	sadd.s32 $0x38400, s11;
	s26 =	sadd.s32 $0x43800, s11;
	s3 =	sadd.s32 $0x4EC00, s11  }
0x1c: {  	[dreg:$0x7] =	wrdreg s22;
	s17 =	sadd.s32 s21, s1;
	s22 =	sadd.s32 $0x21C00, s11  }
0x1d: {  	s19 =	sadd.s32 s6, s1;
	s24 =	sshrl.u32 s23, $0x2;
	s6 =	sshrl.u32 s26, $0x2  }
0x1e: {  	s3 =	sshrl.u32 s3, $0x2;
	s26 =	sadd.s32 s5, s1;
	s5 =	simm.s32 $0x50  }
0x1f: {  	s4 =	sshrl.u32 s22, $0x2;
	s21 =	sadd.s32 s24, s1;
	s23 =	sadd.s32 s6, s1  }
0x20: {  	s24 =	sadd.s32 s3, s1;
	s3 =	simm.s32 $0x2;
	s6 =	simm.s32 $0x2710  }
0x21: {  	s20 =	sadd.s32 s4, s1;
	s4 =	sshrl.u32 s25, $0x2;
	s25 =	sadd.s32 s8, s1  }
0x22: {  	s8 =	simm.s32 $0x2760;
	s22 =	sadd.s32 s4, s1;
	s4 =	simm.s32 $0x27B0  }
.LBB2_1:
0x23: {  	s10 =	rddreg [dreg:$0x4]  }
0x24: {  	[tilespmem:s2], [sflag:$0x2] =	stream.linear.gather [hbm4b:s10+s2], $0x2710, $0x38;
	[tilespmem:$0x1BCB0] =	vst v63  }
0x25: {  	_ =	swait.ge [sflag:s3], $0x2710  }
0x26: {  	[sflag:s3] =	ssyncset.done $0x0  }
0x27: {  	[sflag:s3] =	ssyncadd.s32 $0xFFFFD8F0  }
0x28: {  	[tilespmem:s4], [sflag:$0x2] =	stream.linear.gather [hbm4b:s14+s2], $0x2D00, $0x38;
	[tilespmem:$0x1BCB0] =	vst v63  }
0x29: {  	_ =	swait.ge [sflag:s3], $0x2D00  }
0x2a: {  	[sflag:s3] =	ssyncset.done $0x0  }
0x2b: {  	[sflag:s3] =	ssyncadd.s32 $0xFFFFD300  }
0x2c: {  	[spmem:s17] =	stream.linear.scatter [tilespmem:s4], [sflag:$0x2], $0x2D00, $0x38;
	[tilespmem:$0x1BCB0] =	vst v63  }
0x2d: {  	_ =	swait.ge [sflag:s3], $0x2D00  }
0x2e: {  	[sflag:s3] =	ssyncset.done $0x0  }
0x2f: {  	[sflag:s3] =	ssyncadd.s32 $0xFFFFD300  }
0x30: {  	[spmem:s18] =	stream.linear.scatter [tilespmem:s4], [sflag:$0x2], $0x2D00, $0x38;
	[tilespmem:$0x1BCB0] =	vst v63  }
0x31: {  	_ =	swait.ge [sflag:s3], $0x2D00  }
0x32: {  	[sflag:s3] =	ssyncset.done $0x0  }
0x33: {  	[sflag:s3] =	ssyncadd.s32 $0xFFFFD300  }
0x34: {  	[spmem:s19] =	stream.linear.scatter [tilespmem:s4], [sflag:$0x2], $0x2D00, $0x38;
	[tilespmem:$0x1BCB0] =	vst v63  }
0x35: {  	_ =	swait.ge [sflag:s3], $0x2D00  }
0x36: {  	[sflag:s3] =	ssyncset.done $0x0  }
0x37: {  	[sflag:s3] =	ssyncadd.s32 $0xFFFFD300  }
0x38: {  	[spmem:s20] =	stream.linear.scatter [tilespmem:s4], [sflag:$0x2], $0x2D00, $0x38;
	[tilespmem:$0x1BCB0] =	vst v63  }
0x39: {  	_ =	swait.ge [sflag:s3], $0x2D00  }
0x3a: {  	[sflag:s3] =	ssyncset.done $0x0  }
0x3b: {  	[sflag:s3] =	ssyncadd.s32 $0xFFFFD300  }
0x3c: {  	[spmem:s21] =	stream.linear.scatter [tilespmem:s4], [sflag:$0x2], $0x2D00, $0x38;
	[tilespmem:$0x1BCB0] =	vst v63  }
0x3d: {  	_ =	swait.ge [sflag:s3], $0x2D00  }
0x3e: {  	[sflag:s3] =	ssyncset.done $0x0  }
0x3f: {  	[sflag:s3] =	ssyncadd.s32 $0xFFFFD300  }
0x40: {  	[spmem:s22] =	stream.linear.scatter [tilespmem:s4], [sflag:$0x2], $0x2D00, $0x38;
	[tilespmem:$0x1BCB0] =	vst v63  }
0x41: {  	_ =	swait.ge [sflag:s3], $0x2D00  }
0x42: {  	[sflag:s3] =	ssyncset.done $0x0  }
0x43: {  	[sflag:s3] =	ssyncadd.s32 $0xFFFFD300  }
0x44: {  	[spmem:s23] =	stream.linear.scatter [tilespmem:s4], [sflag:$0x2], $0x2D00, $0x38;
	[tilespmem:$0x1BCB0] =	vst v63  }
0x45: {  	_ =	swait.ge [sflag:s3], $0x2D00  }
0x46: {  	[sflag:s3] =	ssyncset.done $0x0  }
0x47: {  	[sflag:s3] =	ssyncadd.s32 $0xFFFFD300  }
0x48: {  	[spmem:s24] =	stream.linear.scatter [tilespmem:s4], [sflag:$0x2], $0x2D00, $0x38;
	[tilespmem:$0x1BCB0] =	vst v63  }
0x49: {  	_ =	swait.ge [sflag:s3], $0x2D00  }
0x4a: {  	[sflag:s3] =	ssyncset.done $0x0  }
0x4b: {  	[sflag:s3] =	ssyncadd.s32 $0xFFFFD300  }
0x4c: {  	s11 =	simm.s32 $0x0;
	[bflag:$0x0] =	sbarrier.arrive $0xFFFF  }
0x4d: {  	v0 =	vld [tilespmem:s11+$0x0];
	_ =	sdelay $0x4  }
0x4e: {  	v1 =	vshrl.u32 v0, $0xE  }
0x4f: {  	v0 =	vand.u32 $0x3FFF, v0;
	[tilespmem:$0x2710] =	vst v1  }
0x50: {  	[tilespmem:$0x2760] =	vst v0  }
0x51: {  	v0 =	vld [tilespmem:s11+$0x10];
	_ =	sdelay $0x4  }
0x52: {  	v60 =	vshrl.u32 v0, $0xE  }
0x53: {  	v0 =	vand.u32 $0x3FFF, v0;
	[tilespmem:$0x2720] =	vst v60  }
0x54: {  	[tilespmem:$0x2770] =	vst v0  }
0x55: {  	v0 =	vld [tilespmem:s11+$0x20];
	_ =	sdelay $0x4  }
0x56: {  	v61 =	vshrl.u32 v0, $0xE  }
0x57: {  	v0 =	vand.u32 $0x3FFF, v0;
	[tilespmem:$0x2730] =	vst v61  }
0x58: {  	[tilespmem:$0x2780] =	vst v0  }
0x59: {  	v0 =	vld [tilespmem:s11+$0x30];
	_ =	sdelay $0x4  }
0x5a: {  	v62 =	vshrl.u32 v0, $0xE  }
0x5b: {  	v0 =	vand.u32 $0x3FFF, v0;
	[tilespmem:$0x2740] =	vst v62  }
0x5c: {  	[tilespmem:$0x2790] =	vst v0  }
0x5d: {  	v0 =	vld [tilespmem:s11+$0x40];
	_ =	sdelay $0x4  }
0x5e: {  	v63 =	vshrl.u32 v0, $0xE  }
0x5f: {  	v0 =	vand.u32 $0x3FFF, v0;
	[tilespmem:$0x2750] =	vst v63  }
0x60: {  	[tilespmem:$0x27A0] =	vst v0  }
0x61: {  	[tilespmem:s4], [sflag:$0x1] =	stream.indirect.gather [hbm4b:s13+s5], $0x90, s6, s5, $0xb8;
	[tilespmem:$0x1BCB0] =	vst v63  }
0x62: {  	s10 =	simm.s32 $0x140;
	_ =	swait.ge [sflag:s7], $0x2D00  }
.LBB2_2:
0x63: {  	p0 =	sne.s32 s10, $0x9B00  }
0x64: {  	[sflag:s7] =	ssyncset.done $0x0;
	s11 =	smov.u32 s10;
	s10 =	sadd.s32 $0x140, s10  }
0x65: {  	[sflag:s7] =	ssyncadd.s32 $0xFFFFD300  }
0x66: {  	[spmem:s1] =	stream.indirect.scatter.add.f32 [tilespmem:s4], [sflag:$0x2], $0x90, s8, s5, $0xb8;
	[tilespmem:$0x1BCB0] =	vst v63  }
0x67: {  	_ =	swait.ge [sflag:s3], $0x2D00  }
0x68: {  	[sflag:s3] =	ssyncset.done $0x0  }
0x69: {  	s11 =	sshra.s32 s11, $0x2;
	[sflag:s3] =	ssyncadd.s32 $0xFFFFD300  }
0x6a: {  	v0 =	vld [tilespmem:s11+$0x0];
	_ =	sdelay $0x4  }
0x6b: {  	v1 =	vshrl.u32 v0, $0xE;
	v0 =	vand.u32 $0x3FFF, v0  }
0x6c: {  	[tilespmem:$0x2710] =	vst v1  }
0x6d: {  	[tilespmem:$0x2760] =	vst v0  }
0x6e: {  	v0 =	vld [tilespmem:s11+$0x10];
	_ =	sdelay $0x4  }
0x6f: {  	v1 =	vshrl.u32 v0, $0xE;
	v0 =	vand.u32 $0x3FFF, v0  }
0x70: {  	[tilespmem:$0x2720] =	vst v1  }
0x71: {  	[tilespmem:$0x2770] =	vst v0  }
0x72: {  	v0 =	vld [tilespmem:s11+$0x20];
	_ =	sdelay $0x4  }
0x73: {  	v1 =	vshrl.u32 v0, $0xE;
	v0 =	vand.u32 $0x3FFF, v0  }
0x74: {  	[tilespmem:$0x2730] =	vst v1  }
0x75: {  	[tilespmem:$0x2780] =	vst v0  }
0x76: {  	v0 =	vld [tilespmem:s11+$0x30];
	_ =	sdelay $0x4  }
0x77: {  	v1 =	vshrl.u32 v0, $0xE;
	v0 =	vand.u32 $0x3FFF, v0  }
0x78: {  	[tilespmem:$0x2740] =	vst v1  }
0x79: {  	[tilespmem:$0x2790] =	vst v0  }
0x7a: {  	v0 =	vld [tilespmem:s11+$0x40];
	_ =	sdelay $0x4  }
.Ltmp0:
0x7b: {  	v1 =	vshrl.u32 v0, $0xE;
	v0 =	vand.u32 $0x3FFF, v0;
	(pc) =	sbr.rel @p0 .LBB2_2-.Ltmp0, $4  }
0x7c: {  	[tilespmem:$0x2750] =	vst v1  }
0x7d: {  	[tilespmem:$0x27A0] =	vst v0  }
0x7e: {  	[tilespmem:s4], [sflag:$0x1] =	stream.indirect.gather [hbm4b:s13+s5], $0x90, s6, s5, $0xb8;
	[tilespmem:$0x1BCB0] =	vst v63  }
0x7f: {  	_ =	swait.ge [sflag:s7], $0x2D00  }
0x80: {  	[sflag:s7] =	ssyncset.done $0x0  }
0x81: {  	[sflag:s7] =	ssyncadd.s32 $0xFFFFD300  }
0x82: {  	[spmem:s1] =	stream.indirect.scatter.add.f32 [tilespmem:s4], [sflag:$0x2], $0x90, s8, s5, $0xb8;
	[tilespmem:$0x1BCB0] =	vst v63  }
0x83: {  	_ =	swait.ge [sflag:s3], $0x2D00  }
0x84: {  	[sflag:s3] =	ssyncset.done $0x0  }
0x85: {  	[sflag:s3] =	ssyncadd.s32 $0xFFFFD300  }
0x86: {  	[bflag:$0x0] =	sbarrier.arrive $0xFFFF  }
0x87: {  	[tilespmem:s4], [sflag:$0x2] =	stream.linear.gather [spmem:s15], $0x2D00, $0x38;
	[tilespmem:$0x1BCB0] =	vst v63  }
0x88: {  	_ =	swait.ge [sflag:s3], $0x2D00  }
0x89: {  	[sflag:s3] =	ssyncset.done $0x0  }
0x8a: {  	s10 =	rddreg [dreg:$0x5];
	[sflag:s3] =	ssyncadd.s32 $0xFFFFD300  }
0x8b: {  	[hbm4b:s10+s2] =	stream.linear.scatter [tilespmem:s4], [sflag:$0x2], $0x2D00, $0x38;
	[tilespmem:$0x1BCB0] =	vst v63  }
0x8c: {  	_ =	swait.ge [sflag:s3], $0x2D00  }
0x8d: {  	[sflag:s3] =	ssyncset.done $0x0  }
0x8e: {  	[sflag:s3] =	ssyncadd.s32 $0xFFFFD300  }
0x8f: {  	[tilespmem:s4], [sflag:$0x2] =	stream.linear.gather [spmem:s25], $0x2D00, $0x38;
	[tilespmem:$0x1BCB0] =	vst v63  }
0x90: {  	_ =	swait.ge [sflag:s3], $0x2D00  }
0x91: {  	[sflag:s3] =	ssyncset.done $0x0  }
0x92: {  	s11 =	rddreg [dreg:$0x6];
	[sflag:s3] =	ssyncadd.s32 $0xFFFFD300  }
0x93: {  	[hbm4b:s11+s2] =	stream.linear.scatter [tilespmem:s4], [sflag:$0x2], $0x2D00, $0x38;
	[tilespmem:$0x1BCB0] =	vst v63  }
0x94: {  	_ =	swait.ge [sflag:s3], $0x2D00  }
0x95: {  	[sflag:s3] =	ssyncset.done $0x0  }
0x96: {  	[sflag:s3] =	ssyncadd.s32 $0xFFFFD300  }
0x97: {  	[tilespmem:s4], [sflag:$0x2] =	stream.linear.gather [spmem:s26], $0x2D00, $0x38;
	[tilespmem:$0x1BCB0] =	vst v63  }
0x98: {  	_ =	swait.ge [sflag:s3], $0x2D00  }
0x99: {  	[sflag:s3] =	ssyncset.done $0x0  }
0x9a: {  	s11 =	rddreg [dreg:$0x7];
	[sflag:s3] =	ssyncadd.s32 $0xFFFFD300  }
0x9b: {  	[hbm4b:s11+s2] =	stream.linear.scatter [tilespmem:s4], [sflag:$0x2], $0x2D00, $0x38;
	[tilespmem:$0x1BCB0] =	vst v63  }
0x9c: {  	_ =	swait.ge [sflag:s3], $0x2D00  }
0x9d: {  	[sflag:s3] =	ssyncset.done $0x0  }
0x9e: {  	[sflag:s3] =	ssyncadd.s32 $0xFFFFD300  }
0x9f: {  	[tilespmem:s4], [sflag:$0x2] =	stream.linear.gather [spmem:s28], $0x2D00, $0x38;
	[tilespmem:$0x1BCB0] =	vst v63  }
0xa0: {  	_ =	swait.ge [sflag:s3], $0x2D00  }
0xa1: {  	[sflag:s3] =	ssyncset.done $0x0  }
0xa2: {  	s11 =	rddreg [dreg:$0x8];
	[sflag:s3] =	ssyncadd.s32 $0xFFFFD300  }
0xa3: {  	[hbm4b:s11+s2] =	stream.linear.scatter [tilespmem:s4], [sflag:$0x2], $0x2D00, $0x38;
	[tilespmem:$0x1BCB0] =	vst v63  }
0xa4: {  	_ =	swait.ge [sflag:s3], $0x2D00  }
0xa5: {  	[sflag:s3] =	ssyncset.done $0x0  }
0xa6: {  	[sflag:s3] =	ssyncadd.s32 $0xFFFFD300  }
0xa7: {  	[tilespmem:s4], [sflag:$0x2] =	stream.linear.gather [spmem:s29], $0x2D00, $0x38;
	[tilespmem:$0x1BCB0] =	vst v63  }
0xa8: {  	_ =	swait.ge [sflag:s3], $0x2D00  }
0xa9: {  	[sflag:s3] =	ssyncset.done $0x0  }
0xaa: {  	s11 =	rddreg [dreg:$0x9];
	[sflag:s3] =	ssyncadd.s32 $0xFFFFD300  }
0xab: {  	[hbm4b:s11+s2] =	stream.linear.scatter [tilespmem:s4], [sflag:$0x2], $0x2D00, $0x38;
	[tilespmem:$0x1BCB0] =	vst v63  }
0xac: {  	_ =	swait.ge [sflag:s3], $0x2D00  }
0xad: {  	[sflag:s3] =	ssyncset.done $0x0  }
0xae: {  	[sflag:s3] =	ssyncadd.s32 $0xFFFFD300  }
0xaf: {  	[tilespmem:s4], [sflag:$0x2] =	stream.linear.gather [spmem:s30], $0x2D00, $0x38;
	[tilespmem:$0x1BCB0] =	vst v63  }
0xb0: {  	_ =	swait.ge [sflag:s3], $0x2D00  }
0xb1: {  	[sflag:s3] =	ssyncset.done $0x0  }
0xb2: {  	s11 =	rddreg [dreg:$0xa];
	[sflag:s3] =	ssyncadd.s32 $0xFFFFD300  }
0xb3: {  	[hbm4b:s11+s2] =	stream.linear.scatter [tilespmem:s4], [sflag:$0x2], $0x2D00, $0x38;
	[tilespmem:$0x1BCB0] =	vst v63  }
0xb4: {  	_ =	swait.ge [sflag:s3], $0x2D00  }
0xb5: {  	[sflag:s3] =	ssyncset.done $0x0  }
0xb6: {  	[sflag:s3] =	ssyncadd.s32 $0xFFFFD300  }
0xb7: {  	[tilespmem:s4], [sflag:$0x2] =	stream.linear.gather [spmem:s31], $0x2D00, $0x38;
	[tilespmem:$0x1BCB0] =	vst v63  }
0xb8: {  	_ =	swait.ge [sflag:s3], $0x2D00  }
0xb9: {  	[sflag:s3] =	ssyncset.done $0x0  }
0xba: {  	s11 =	rddreg [dreg:$0xb];
	[sflag:s3] =	ssyncadd.s32 $0xFFFFD300  }
0xbb: {  	[hbm4b:s11+s2] =	stream.linear.scatter [tilespmem:s4], [sflag:$0x2], $0x2D00, $0x38;
	[tilespmem:$0x1BCB0] =	vst v63  }
0xbc: {  	_ =	swait.ge [sflag:s3], $0x2D00  }
0xbd: {  	[sflag:s3] =	ssyncset.done $0x0  }
0xbe: {  	[sflag:s3] =	ssyncadd.s32 $0xFFFFD300  }
0xbf: {  	[tilespmem:s4], [sflag:$0x2] =	stream.linear.gather [spmem:s0], $0x2D00, $0x38;
	[tilespmem:$0x1BCB0] =	vst v63  }
0xc0: {  	s9 =	sadd.s32 $0x1, s9;
	_ =	swait.ge [sflag:s3], $0x2D00  }
0xc1: {  	p0 =	sne.s32 s9, s16;
	[sflag:s3] =	ssyncset.done $0x0  }
.Ltmp1:
0xc2: {  	[sflag:s3] =	ssyncadd.s32 $0xFFFFD300;
	(pc) =	sbr.rel @p0 .LBB2_1-.Ltmp1, $4  }
0xc3: {  	[hbm4b:s12+s2] =	stream.linear.scatter [tilespmem:s4], [sflag:$0x2], $0x2D00, $0x38;
	[tilespmem:$0x1BCB0] =	vst v63  }
0xc4: {  	_ =	swait.ge [sflag:s3], $0x2D00  }
0xc5: {  	[sflag:s3] =	ssyncset.done $0x0  }
0xc6: {  	[sflag:s3] =	ssyncadd.s32 $0xFFFFD300  }
0xc7: {  	_ =	sfence.sel $0x180000  }
0xc8: {  	[bflag:$0x0] =	sbarrier.arrive $0xFFFF  }
0xc9: {  	_ =	strace $0x90000047  }
0xca: {  	s0 =	stileid.u32;
	[bflag:$0x2] =	sbarrier.arrive $0xFFFF  }
0xcb: {  	p0 =	sne.s32 s0, $0x0;
	s0 =	rddreg [dreg:$0x3]  }
0xcc: {  	s0 =	sadd.s32 @!p0 $0x100000, s0  }
0xcd: {  	[sflag:s0] =	ssyncadd.tile.s32 @!p0 $0x1;
	_ =	shalt  }
.Lfunc_end2:
_tile_overlayer_lowered:
.L_overlay_start_2:
0xce: {  	(tag) =	ssettag $0x2  }
0xcf: {  	s0 =	rddreg [dreg:$0x0];
	s2 =	stileid.u32  }
0xd0: {  	s1 =	rddreg [dreg:$0x1];
	p0 =	sne.s32 s2, $0x0  }
0xd1: {  	s3 =	rddreg [dreg:$0x2];
	[bflag:$0x3] =	sbarrier.arrive $0xFFFF;
	s2 =	simm.s32 @!p0 $0x1C02  }
0xd2: {  	[timem:s3], [sflag:s2] =	dma.local @!p0 [hbm:s0], s1  }
0xd3: {  	s0 =	simm.s32 @!p0 $0x2  }
0xd4: {  	_ =	swait.ge @!p0 [sflag:s0], s1  }
0xd5: {  	s1 =	ssub.s32 @!p0 $0x0, s1;
	[sflag:s0] =	ssyncset.done @!p0 $0x0  }
0xd6: {  	[sflag:s0] =	ssyncadd.s32 @!p0 s1  }
0xd7: {  	[bflag:$0x3] =	sbarrier.arrive $0xFFFF  }
0xd8: {  	_ =	shalt  }

</sc_bundles>
